<compile_context>
chip_gen: v7x
topology: tpu7x:2x2x1
jax: 0.10.2.dev20260603
libtpu: 0.0.44.dev20260713+nightly
codegen_flags: <defaults>
</compile_context>

<pallas_src>
import functools

import jax
import jax.numpy as jnp
from jax import lax
from jax.experimental import pallas as pl
from jax.experimental.pallas import tpu as pltpu
from jax.experimental.pallas import tpu_sc as plsc

L = 16
MAX_NUM = 5
IOU_THRESH = 0.5
K = 24
KTOT = K + MAX_NUM
BIG = 3.0e38


def _splat(x, dtype=None):
    v = lax.broadcast(x, (L,))
    return v if dtype is None else v.astype(dtype)


def _sc_body(nchunks, ngroups, boxes_hbm, s0_hbm, s1_hbm, out_hbm,
             s0_v, s1_v, bx_v, cm, cm2, idx, bscr, outs, sem, sem2):
    s_idx = lax.axis_index("s")

    @pl.when(s_idx >= 0)
    def _():
        img = s_idx
        iota = lax.iota(jnp.int32, L)
        lane0 = iota == 0

        s0_cp = pltpu.async_copy(s0_hbm.at[img], s0_v, sem2)
        s1_cp = pltpu.async_copy(s1_hbm.at[img], s1_v, sem2)
        box_cp = pltpu.async_copy(boxes_hbm.at[img], bx_v, sem)
        s0_cp.wait()
        s1_cp.wait()

        def _build(g, _):
            base = g * L * L
            ms = []
            for u in range(L):
                sl = pl.ds(base + u * L, L)
                d = s1_v[sl] - s0_v[sl]
                s0_v[sl] = d
                ms.append(jnp.max(d))
            gm = _splat(ms[0])
            for u in range(1, L):
                gm = jnp.where(iota == u, ms[u], gm)
            cm[pl.ds(g * L, L)] = gm
            plsc.store_scatter(cm2, [_splat(g)], _splat(jnp.max(gm)),
                               mask=lane0)
            return _
        cm2[pl.ds(0, L)] = jnp.full((L,), -BIG, jnp.float32)
        cm2[pl.ds(L, L)] = jnp.full((L,), -BIG, jnp.float32)
        lax.fori_loop(0, ngroups, _build, None)

        idx[pl.ds(0, L)] = jnp.zeros((L,), jnp.int32)
        idx[pl.ds(L, L)] = jnp.zeros((L,), jnp.int32)

        def extract(k, carry):
            c2a, c2b = carry
            g = jnp.max(jnp.maximum(c2a, c2b))
            fa = plsc.all_reduce_ffs(c2a == g)
            fb = plsc.all_reduce_ffs(c2b == g)
            in_a = fa < L
            vstar = jnp.where(in_a, fa, fb + L)
            cmrow = plsc.load_gather(cm, [vstar * L + iota])
            lr = plsc.all_reduce_ffs(cmrow == g)
            cstar = vstar * L + lr
            dchunk = plsc.load_gather(s0_v, [cstar * L + iota])
            ld = plsc.all_reduce_ffs(dchunk == g)
            gidx = cstar * L + ld

            plsc.store_scatter(idx, [_splat(k)], gidx, mask=lane0)
            plsc.store_scatter(s0_v, [gidx], _splat(-BIG), mask=lane0)
            nm = jnp.max(jnp.where(iota == ld, -BIG, dchunk))
            plsc.store_scatter(cm, [cstar], _splat(nm), mask=lane0)
            rmp = jnp.max(jnp.where(iota == lr, -BIG, cmrow))
            rm = jnp.maximum(rmp, nm)
            c2a = jnp.where((iota == vstar) & in_a, rm, c2a)
            c2b = jnp.where((iota == vstar - L) & (~in_a), rm, c2b)
            return c2a, c2b
        lax.fori_loop(0, KTOT - 1, extract,
                      (cm2[pl.ds(0, L)], cm2[pl.ds(L, L)]))

        box_cp.wait()
        ia = idx[pl.ds(0, L)]
        ib = idx[pl.ds(L, L)]
        Xa, Xb = [], []
        for ci in range(4):
            civ = _splat(ci)
            xa = plsc.load_gather(bx_v, [civ, ia])
            xb = plsc.load_gather(bx_v, [civ, ib])
            bscr[ci, pl.ds(0, L)] = xa
            bscr[ci, pl.ds(L, L)] = xb
            Xa.append(xa)
            Xb.append(xb)

        area_a = (Xa[2] - Xa[0]) * (Xa[3] - Xa[1])
        area_b = (Xb[2] - Xb[0]) * (Xb[3] - Xb[1])
        valid_a = jnp.full((L,), True)
        valid_b = iota < (K - L)
        exv = jnp.full((L,), False)
        cur = [plsc.load_gather(bscr, [_splat(ci), _splat(K)])
               for ci in range(4)]

        for j in range(MAX_NUM - 1):
            fa = plsc.all_reduce_ffs(valid_a)
            fb = plsc.all_reduce_ffs(valid_b)
            fidx = jnp.where(fa < L, fa,
                             jnp.where(fb < L, fb + L, _splat(0)))
            mb = [jnp.where(exv, cur[ci],
                            plsc.load_gather(bscr, [_splat(ci), fidx]))
                  for ci in range(4)]
            a1 = (mb[2] - mb[0]) * (mb[3] - mb[1])

            iw_a = jnp.maximum(jnp.minimum(mb[2], Xa[2])
                               - jnp.maximum(mb[0], Xa[0]), 0.0)
            ih_a = jnp.maximum(jnp.minimum(mb[3], Xa[3])
                               - jnp.maximum(mb[1], Xa[1]), 0.0)
            inter_a = iw_a * ih_a
            iou_a = inter_a / (a1 + area_a - inter_a)
            iw_b = jnp.maximum(jnp.minimum(mb[2], Xb[2])
                               - jnp.maximum(mb[0], Xb[0]), 0.0)
            ih_b = jnp.maximum(jnp.minimum(mb[3], Xb[3])
                               - jnp.maximum(mb[1], Xb[1]), 0.0)
            inter_b = iw_b * ih_b
            iou_b = inter_b / (a1 + area_b - inter_b)

            over_a = valid_a & (iou_a >= IOU_THRESH) & (~exv)
            over_b = valid_b & (iou_b >= IOU_THRESH) & (~exv)
            x1m = jnp.minimum(jnp.min(jnp.where(over_a, Xa[0], BIG)),
                              jnp.min(jnp.where(over_b, Xb[0], BIG)))
            y1m = jnp.minimum(jnp.min(jnp.where(over_a, Xa[1], BIG)),
                              jnp.min(jnp.where(over_b, Xb[1], BIG)))
            x2m = jnp.maximum(jnp.max(jnp.where(over_a, Xa[2], -BIG)),
                              jnp.max(jnp.where(over_b, Xb[2], -BIG)))
            y2m = jnp.maximum(jnp.max(jnp.where(over_a, Xa[3], -BIG)),
                              jnp.max(jnp.where(over_b, Xb[3], -BIG)))
            roi = [x1m, y1m, x2m, y2m]
            for ci in range(4):
                val = jnp.where(exv, cur[ci], _splat(roi[ci]))
                plsc.store_scatter(outs, [_splat(j), _splat(ci)], val,
                                   mask=lane0)

            next_a = valid_a & (iou_a < IOU_THRESH)
            next_b = valid_b & (iou_b < IOU_THRESH)
            any_next = jnp.any(next_a) | jnp.any(next_b)
            newly = (~exv) & (~_splat(any_next))
            pick = exv | newly
            for ci in range(4):
                ph = plsc.load_gather(bscr, [_splat(ci), _splat(K + j)])
                cur[ci] = jnp.where(pick, ph, cur[ci])
            exv = exv | newly
            valid_a = next_a & (~exv)
            valid_b = next_b & (~exv)

        for ci in range(4):
            last = plsc.load_gather(bscr, [_splat(ci), _splat(KTOT - 2)])
            plsc.store_scatter(outs, [_splat(MAX_NUM - 1), _splat(ci)], last,
                               mask=lane0)
        pltpu.sync_copy(outs.at[pl.ds(0, MAX_NUM)], out_hbm.at[img])


def kernel(boxes, scores):
    B, N, _ = scores.shape
    npad = -N % 256
    NP = N + npad
    nchunks = NP // L
    ngroups = nchunks // L

    s0p = jnp.pad(scores[..., 0], ((0, 0), (0, npad)))
    s1p = jnp.pad(scores[..., 1], ((0, 0), (0, npad)), constant_values=-BIG)
    boxes_t = jnp.pad(jnp.transpose(boxes, (0, 2, 1)),
                      ((0, 0), (0, 0), (0, npad)))

    mesh = plsc.VectorSubcoreMesh(core_axis_name="c", subcore_axis_name="s",
                                  num_cores=1)
    body = functools.partial(_sc_body, nchunks, ngroups)
    out = pl.kernel(
        body,
        out_type=jax.ShapeDtypeStruct((B, MAX_NUM, 4), jnp.float32),
        mesh=mesh,
        compiler_params=pltpu.CompilerParams(needs_layout_passes=False),
        scratch_types=[
            pltpu.VMEM((NP,), jnp.float32),
            pltpu.VMEM((NP,), jnp.float32),
            pltpu.VMEM((4, NP), jnp.float32),
            pltpu.VMEM((nchunks,), jnp.float32),
            pltpu.VMEM((2 * L,), jnp.float32),
            pltpu.VMEM((2 * L,), jnp.int32),
            pltpu.VMEM((4, 2 * L), jnp.float32),
            pltpu.VMEM((8, 4), jnp.float32),
            pltpu.SemaphoreType.DMA,
            pltpu.SemaphoreType.DMA,
        ],
    )(boxes_t, s0p, s1p)
    return out

# --- scband reference (transcript-rebuilt; emitter-appended) ---
"""Pipeline reference for scband-max-roi-38534446579959 (READ-ONLY COPY).

The authoritative reference and input builder live on the scoring server;
editing this copy changes nothing except your own understanding.
"""

import jax, jax.numpy as jnp
import numpy as np

MAX_NUM = 5
IOU_THRESH = 0.5
K = 24
SCORE_THRESH = 0.6


def bbox_iou_corner(b1, b2):
    # b1: [M,4], b2: [N,4] in (x1,y1,x2,y2) corner format -> IoU matrix [M,N]
    x11, y11, x12, y12 = b1[:, 0:1], b1[:, 1:2], b1[:, 2:3], b1[:, 3:4]
    x21, y21, x22, y22 = b2[:, 0], b2[:, 1], b2[:, 2], b2[:, 3]
    inter_w = jnp.clip(jnp.minimum(x12, x22) - jnp.maximum(x11, x21), 0.0, None)
    inter_h = jnp.clip(jnp.minimum(y12, y22) - jnp.maximum(y11, y21), 0.0, None)
    inter = inter_w * inter_h
    area1 = (x12 - x11) * (y12 - y11)
    area2 = (x22 - x21) * (y22 - y21)
    union = area1 + area2 - inter
    return inter / union


def setup_inputs(seed: int = 0) -> dict:
    key = jax.random.key(seed)
    k1, k2, k3 = jax.random.split(key, 3)
    B, N = 16, 5000
    # fill='rand': build valid corner boxes (x2>x1, y2>y1) from uniforms so IoU is well-defined
    xy = jax.random.uniform(k1, (B, N, 2), minval=0.0, maxval=0.8, dtype=jnp.float32)
    wh = jax.random.uniform(k2, (B, N, 2), minval=0.05, maxval=0.2, dtype=jnp.float32)
    boxes = jnp.concatenate([xy, xy + wh], axis=-1)
    scores = jax.random.normal(k3, (B, N, 2), dtype=jnp.float32)
    return {"boxes": boxes, "scores": scores}


def reference(boxes, scores):
    # Faithful translation of MaxROI.call (the second, top-k based implementation).
    B = boxes.shape[0]
    probs = jax.nn.softmax(scores, axis=-1)[..., 1]  # [B, N]
    rois = []
    for i in range(B):
        bx = boxes[i]
        sc = probs[i]
        _, topi = jax.lax.top_k(sc, K + MAX_NUM)
        score_ = sc[topi]
        box_ = bx[topi]
        box = box_[:K, :]
        valid = jnp.ones((K,), dtype=bool)
        exhausted = jnp.zeros((), dtype=bool)
        cur_box = box_[K:K + 1, :]
        roi_list = []
        for j in range(MAX_NUM - 1):
            first_idx = jnp.argmax(valid)
            max_box = jnp.where(exhausted, cur_box, box[first_idx][None, :])
            placeholder_box = box_[K + j:K + j + 1, :]
            iou = bbox_iou_corner(max_box, box)[0]
            over_mask = jnp.logical_and(
                jnp.logical_and(valid, iou >= IOU_THRESH),
                jnp.logical_not(exhausted),
            )
            xy1 = jnp.min(
                jnp.where(over_mask[:, None], box[:, :2], jnp.inf),
                axis=0, keepdims=True,
            )
            xy2 = jnp.max(
                jnp.where(over_mask[:, None], box[:, 2:], -jnp.inf),
                axis=0, keepdims=True,
            )
            roi_normal = jnp.concatenate([xy1, xy2], axis=-1)
            roi = jnp.where(exhausted, cur_box, roi_normal)
            roi_list.append(roi)
            next_mask = jnp.logical_and(valid, iou < IOU_THRESH)
            newly_exhausted = jnp.logical_and(
                jnp.logical_not(exhausted),
                jnp.logical_not(jnp.any(next_mask)),
            )
            cur_box = jnp.where(
                jnp.logical_or(exhausted, newly_exhausted),
                placeholder_box, cur_box,
            )
            exhausted = jnp.logical_or(exhausted, newly_exhausted)
            valid = jnp.logical_and(next_mask, jnp.logical_not(exhausted))
        roi_list.append(box_[-2:-1, :])
        rois.append(jnp.concatenate(roi_list, axis=0))
    return jnp.stack(rois, axis=0)  # [B, MAX_NUM, 4]

if __name__ == "__main__":
    import jax
    _d = setup_inputs()
    print(jax.jit(kernel)(*tuple(_d.values())))

</pallas_src>

<mosaic_0001>
#map = affine_map<(d0, d1) -> (0, 0, 0)>
#map1 = affine_map<(d0, d1) -> (0, 0)>
module attributes {stable_mosaic.version = 14 : i64} {
  func.func @_sc_body(%arg0: i32, %arg1: i32, %arg2: memref<16x4x5120xf32, #tpu.memory_space<hbm>>, %arg3: memref<16x5120xf32, #tpu.memory_space<hbm>>, %arg4: memref<16x5120xf32, #tpu.memory_space<hbm>>, %arg5: memref<16x5x4xf32, #tpu.memory_space<hbm>>, %arg6: memref<5120xf32, #tpu.memory_space<vmem>>, %arg7: memref<5120xf32, #tpu.memory_space<vmem>>, %arg8: memref<4x5120xf32, #tpu.memory_space<vmem>>, %arg9: memref<320xf32, #tpu.memory_space<vmem>>, %arg10: memref<32xf32, #tpu.memory_space<vmem>>, %arg11: memref<32xi32, #tpu.memory_space<vmem>>, %arg12: memref<4x32xf32, #tpu.memory_space<vmem>>, %arg13: memref<8x4xf32, #tpu.memory_space<vmem>>, %arg14: memref<!tpu.dma_semaphore, #tpu.memory_space<semaphore_mem>>, %arg15: memref<!tpu.dma_semaphore, #tpu.memory_space<semaphore_mem>>) attributes {dimension_semantics = [#tpu.dimension_semantics<core_parallel>, #tpu.dimension_semantics<subcore_parallel>], iteration_bounds = array<i64: 1, 16>, scalar_prefetch = 0 : i64, scratch_operands = 10 : i64, tpu.core_type = #tpu.core_type<sc_vector_subcore>, window_params = [{transform_indices = #map}, {transform_indices = #map1}, {transform_indices = #map1}, {transform_indices = #map}]} {
    %ge3A = arith.constant 0 : i32
    %ge3A_0 = arith.cmpi sge, %arg1, %ge3A : i32
    %convert_element_type3A = arith.extui %ge3A_0 : i1 to i32
    %cond3A = arith.constant 0 : i32
    %cond3A_1 = arith.cmpi ne, %convert_element_type3A, %cond3A : i32
    scf.if %cond3A_1 {
      %iota3A = tpu.iota {dimensions = array<i32: 0>} : vector<16xi32>
      %eq3A = arith.constant 0 : i32
      %eq3A_2 = vector.broadcast %eq3A : i32 to vector<16xi32>
      %eq3A_3 = arith.cmpi eq, %iota3A, %eq3A_2 : vector<16xi32>
      %dma_start3A = arith.constant 0 : i32
      %dma_start3A_4 = tpu.memref_slice %arg3[%arg1, %dma_start3A] : memref<16x5120xf32, #tpu.memory_space<hbm>> -> memref<1x5120xf32, #tpu.memory_space<hbm>>
      %dma_start3A_5 = tpu.memref_squeeze %dma_start3A_4 : memref<1x5120xf32, #tpu.memory_space<hbm>> -> memref<5120xf32, #tpu.memory_space<hbm>>
      %dma_start3A_6 = arith.constant 0 : i32
      %dma_start3A_7 = tpu.memref_slice %arg3[%arg1, %dma_start3A_6] : memref<16x5120xf32, #tpu.memory_space<hbm>> -> memref<1x5120xf32, #tpu.memory_space<hbm>>
      %dma_start3A_8 = tpu.memref_squeeze %dma_start3A_7 : memref<1x5120xf32, #tpu.memory_space<hbm>> -> memref<5120xf32, #tpu.memory_space<hbm>>
      tpu.enqueue_dma source(%dma_start3A_8 : memref<5120xf32, #tpu.memory_space<hbm>>) target(%arg6 : memref<5120xf32, #tpu.memory_space<vmem>>) target_semaphore(%arg15 : memref<!tpu.dma_semaphore, #tpu.memory_space<semaphore_mem>>)
      %dma_start3A_9 = arith.constant 0 : i32
      %dma_start3A_10 = tpu.memref_slice %arg4[%arg1, %dma_start3A_9] : memref<16x5120xf32, #tpu.memory_space<hbm>> -> memref<1x5120xf32, #tpu.memory_space<hbm>>
      %dma_start3A_11 = tpu.memref_squeeze %dma_start3A_10 : memref<1x5120xf32, #tpu.memory_space<hbm>> -> memref<5120xf32, #tpu.memory_space<hbm>>
      %dma_start3A_12 = arith.constant 0 : i32
      %dma_start3A_13 = tpu.memref_slice %arg4[%arg1, %dma_start3A_12] : memref<16x5120xf32, #tpu.memory_space<hbm>> -> memref<1x5120xf32, #tpu.memory_space<hbm>>
      %dma_start3A_14 = tpu.memref_squeeze %dma_start3A_13 : memref<1x5120xf32, #tpu.memory_space<hbm>> -> memref<5120xf32, #tpu.memory_space<hbm>>
      tpu.enqueue_dma source(%dma_start3A_14 : memref<5120xf32, #tpu.memory_space<hbm>>) target(%arg7 : memref<5120xf32, #tpu.memory_space<vmem>>) target_semaphore(%arg15 : memref<!tpu.dma_semaphore, #tpu.memory_space<semaphore_mem>>)
      %dma_start3A_15 = arith.constant 0 : i32
      %dma_start3A_16 = arith.constant 0 : i32
      %dma_start3A_17 = tpu.memref_slice %arg2[%arg1, %dma_start3A_15, %dma_start3A_16] : memref<16x4x5120xf32, #tpu.memory_space<hbm>> -> memref<1x4x5120xf32, #tpu.memory_space<hbm>>
      %dma_start3A_18 = tpu.memref_squeeze %dma_start3A_17 : memref<1x4x5120xf32, #tpu.memory_space<hbm>> -> memref<4x5120xf32, #tpu.memory_space<hbm>>
      %dma_start3A_19 = arith.constant 0 : i32
      %dma_start3A_20 = arith.constant 0 : i32
      %dma_start3A_21 = tpu.memref_slice %arg2[%arg1, %dma_start3A_19, %dma_start3A_20] : memref<16x4x5120xf32, #tpu.memory_space<hbm>> -> memref<1x4x5120xf32, #tpu.memory_space<hbm>>
      %dma_start3A_22 = tpu.memref_squeeze %dma_start3A_21 : memref<1x4x5120xf32, #tpu.memory_space<hbm>> -> memref<4x5120xf32, #tpu.memory_space<hbm>>
      tpu.enqueue_dma source(%dma_start3A_22 : memref<4x5120xf32, #tpu.memory_space<hbm>>) target(%arg8 : memref<4x5120xf32, #tpu.memory_space<vmem>>) target_semaphore(%arg14 : memref<!tpu.dma_semaphore, #tpu.memory_space<semaphore_mem>>)
      %dma_wait3A = arith.constant 0 : i32
      %dma_wait3A_23 = tpu.memref_slice %arg3[%arg1, %dma_wait3A] : memref<16x5120xf32, #tpu.memory_space<hbm>> -> memref<1x5120xf32, #tpu.memory_space<hbm>>
      %dma_wait3A_24 = tpu.memref_squeeze %dma_wait3A_23 : memref<1x5120xf32, #tpu.memory_space<hbm>> -> memref<5120xf32, #tpu.memory_space<hbm>>
      %dma_wait3A_25 = arith.constant 0 : i32
      %dma_wait3A_26 = tpu.memref_slice %arg3[%arg1, %dma_wait3A_25] : memref<16x5120xf32, #tpu.memory_space<hbm>> -> memref<1x5120xf32, #tpu.memory_space<hbm>>
      %dma_wait3A_27 = tpu.memref_squeeze %dma_wait3A_26 : memref<1x5120xf32, #tpu.memory_space<hbm>> -> memref<5120xf32, #tpu.memory_space<hbm>>
      tpu.wait_dma2 semaphore(%arg15 : memref<!tpu.dma_semaphore, #tpu.memory_space<semaphore_mem>>) src(%dma_wait3A_27 : memref<5120xf32, #tpu.memory_space<hbm>>) dst(%arg6 : memref<5120xf32, #tpu.memory_space<vmem>>)
      %dma_wait3A_28 = arith.constant 0 : i32
      %dma_wait3A_29 = tpu.memref_slice %arg4[%arg1, %dma_wait3A_28] : memref<16x5120xf32, #tpu.memory_space<hbm>> -> memref<1x5120xf32, #tpu.memory_space<hbm>>
      %dma_wait3A_30 = tpu.memref_squeeze %dma_wait3A_29 : memref<1x5120xf32, #tpu.memory_space<hbm>> -> memref<5120xf32, #tpu.memory_space<hbm>>
      %dma_wait3A_31 = arith.constant 0 : i32
      %dma_wait3A_32 = tpu.memref_slice %arg4[%arg1, %dma_wait3A_31] : memref<16x5120xf32, #tpu.memory_space<hbm>> -> memref<1x5120xf32, #tpu.memory_space<hbm>>
      %dma_wait3A_33 = tpu.memref_squeeze %dma_wait3A_32 : memref<1x5120xf32, #tpu.memory_space<hbm>> -> memref<5120xf32, #tpu.memory_space<hbm>>
      tpu.wait_dma2 semaphore(%arg15 : memref<!tpu.dma_semaphore, #tpu.memory_space<semaphore_mem>>) src(%dma_wait3A_33 : memref<5120xf32, #tpu.memory_space<hbm>>) dst(%arg7 : memref<5120xf32, #tpu.memory_space<vmem>>)
      %broadcast_in_dim3A = arith.constant -3.000000e+38 : f32
      %broadcast_in_dim3A_34 = vector.broadcast %broadcast_in_dim3A : f32 to vector<16xf32>
      %swap3A = arith.constant 0 : index
      %swap3A_35 = tpu.vector_load %arg10[%swap3A] {strides = array<i32>} : memref<32xf32, #tpu.memory_space<vmem>>, vector<16xf32>,
      tpu.vector_store %arg10[%swap3A], %broadcast_in_dim3A_34 {strides = array<i32>} : memref<32xf32, #tpu.memory_space<vmem>>, vector<16xf32>,
      %broadcast_in_dim3A_36 = arith.constant -3.000000e+38 : f32
      %broadcast_in_dim3A_37 = vector.broadcast %broadcast_in_dim3A_36 : f32 to vector<16xf32>
      %swap3A_38 = arith.constant 16 : index
      %swap3A_39 = tpu.vector_load %arg10[%swap3A_38] {strides = array<i32>} : memref<32xf32, #tpu.memory_space<vmem>>, vector<16xf32>,
      tpu.vector_store %arg10[%swap3A_38], %broadcast_in_dim3A_37 {strides = array<i32>} : memref<32xf32, #tpu.memory_space<vmem>>, vector<16xf32>,
      %scan3A = arith.constant 0 : i32
      %scan3A_40 = arith.constant 20 : i32
      %scan3A_41 = arith.addi %scan3A, %scan3A_40 : i32
      %scan3A_42 = arith.constant 1 : i32
      scf.for %scan3A_1105 = %scan3A to %scan3A_41 step %scan3A_42  : i32 {
        %mul3A_1106 = arith.constant 16 : i32
        %mul3A_1107 = arith.muli %scan3A_1105, %mul3A_1106 : i32
        %mul3A_1108 = arith.constant 16 : i32
        %mul3A_1109 = arith.muli %mul3A_1107, %mul3A_1108 : i32
        %add3A_1110 = arith.constant 0 : i32
        %add3A_1111 = arith.addi %mul3A_1109, %add3A_1110 : i32
        %get3A_1112 = arith.index_cast %add3A_1111 : i32 to index
        %get3A_1113 = tpu.vector_load %arg7[%get3A_1112] {strides = array<i32>} : memref<5120xf32, #tpu.memory_space<vmem>>, vector<16xf32>,
        %get3A_1114 = arith.index_cast %add3A_1111 : i32 to index
        %get3A_1115 = tpu.vector_load %arg6[%get3A_1114] {strides = array<i32>} : memref<5120xf32, #tpu.memory_space<vmem>>, vector<16xf32>,
        %sub3A_1116 = arith.subf %get3A_1113, %get3A_1115 : vector<16xf32>
        %swap3A_1117 = arith.index_cast %add3A_1111 : i32 to index
        %swap3A_1118 = tpu.vector_load %arg6[%swap3A_1117] {strides = array<i32>} : memref<5120xf32, #tpu.memory_space<vmem>>, vector<16xf32>,
        tpu.vector_store %arg6[%swap3A_1117], %sub3A_1116 {strides = array<i32>} : memref<5120xf32, #tpu.memory_space<vmem>>, vector<16xf32>,
        %reduce_max3A_1119 = arith.constant true
        %reduce_max3A_1120 = vector.broadcast %reduce_max3A_1119 : i1 to vector<16xi1>
        %reduce_max3A_1121 = tpu.scan <max>, %sub3A_1116 masked %reduce_max3A_1120 : vector<16xf32>, vector<16xi1> -> vector<16xf32>
        %reduce_max3A_1122 = vector.extract %reduce_max3A_1121[15] : f32 from vector<16xf32>
        %add3A_1123 = arith.constant 16 : i32
        %add3A_1124 = arith.addi %mul3A_1109, %add3A_1123 : i32
        %get3A_1125 = arith.index_cast %add3A_1124 : i32 to index
        %get3A_1126 = tpu.vector_load %arg7[%get3A_1125] {strides = array<i32>} : memref<5120xf32, #tpu.memory_space<vmem>>, vector<16xf32>,
        %get3A_1127 = arith.index_cast %add3A_1124 : i32 to index
        %get3A_1128 = tpu.vector_load %arg6[%get3A_1127] {strides = array<i32>} : memref<5120xf32, #tpu.memory_space<vmem>>, vector<16xf32>,
        %sub3A_1129 = arith.subf %get3A_1126, %get3A_1128 : vector<16xf32>
        %swap3A_1130 = arith.index_cast %add3A_1124 : i32 to index
        %swap3A_1131 = tpu.vector_load %arg6[%swap3A_1130] {strides = array<i32>} : memref<5120xf32, #tpu.memory_space<vmem>>, vector<16xf32>,
        tpu.vector_store %arg6[%swap3A_1130], %sub3A_1129 {strides = array<i32>} : memref<5120xf32, #tpu.memory_space<vmem>>, vector<16xf32>,
        %reduce_max3A_1132 = arith.constant true
        %reduce_max3A_1133 = vector.broadcast %reduce_max3A_1132 : i1 to vector<16xi1>
        %reduce_max3A_1134 = tpu.scan <max>, %sub3A_1129 masked %reduce_max3A_1133 : vector<16xf32>, vector<16xi1> -> vector<16xf32>
        %reduce_max3A_1135 = vector.extract %reduce_max3A_1134[15] : f32 from vector<16xf32>
        %add3A_1136 = arith.constant 32 : i32
        %add3A_1137 = arith.addi %mul3A_1109, %add3A_1136 : i32
        %get3A_1138 = arith.index_cast %add3A_1137 : i32 to index
        %get3A_1139 = tpu.vector_load %arg7[%get3A_1138] {strides = array<i32>} : memref<5120xf32, #tpu.memory_space<vmem>>, vector<16xf32>,
        %get3A_1140 = arith.index_cast %add3A_1137 : i32 to index
        %get3A_1141 = tpu.vector_load %arg6[%get3A_1140] {strides = array<i32>} : memref<5120xf32, #tpu.memory_space<vmem>>, vector<16xf32>,
        %sub3A_1142 = arith.subf %get3A_1139, %get3A_1141 : vector<16xf32>
        %swap3A_1143 = arith.index_cast %add3A_1137 : i32 to index
        %swap3A_1144 = tpu.vector_load %arg6[%swap3A_1143] {strides = array<i32>} : memref<5120xf32, #tpu.memory_space<vmem>>, vector<16xf32>,
        tpu.vector_store %arg6[%swap3A_1143], %sub3A_1142 {strides = array<i32>} : memref<5120xf32, #tpu.memory_space<vmem>>, vector<16xf32>,
        %reduce_max3A_1145 = arith.constant true
        %reduce_max3A_1146 = vector.broadcast %reduce_max3A_1145 : i1 to vector<16xi1>
        %reduce_max3A_1147 = tpu.scan <max>, %sub3A_1142 masked %reduce_max3A_1146 : vector<16xf32>, vector<16xi1> -> vector<16xf32>
        %reduce_max3A_1148 = vector.extract %reduce_max3A_1147[15] : f32 from vector<16xf32>
        %add3A_1149 = arith.constant 48 : i32
        %add3A_1150 = arith.addi %mul3A_1109, %add3A_1149 : i32
        %get3A_1151 = arith.index_cast %add3A_1150 : i32 to index
        %get3A_1152 = tpu.vector_load %arg7[%get3A_1151] {strides = array<i32>} : memref<5120xf32, #tpu.memory_space<vmem>>, vector<16xf32>,
        %get3A_1153 = arith.index_cast %add3A_1150 : i32 to index
        %get3A_1154 = tpu.vector_load %arg6[%get3A_1153] {strides = array<i32>} : memref<5120xf32, #tpu.memory_space<vmem>>, vector<16xf32>,
        %sub3A_1155 = arith.subf %get3A_1152, %get3A_1154 : vector<16xf32>
        %swap3A_1156 = arith.index_cast %add3A_1150 : i32 to index
        %swap3A_1157 = tpu.vector_load %arg6[%swap3A_1156] {strides = array<i32>} : memref<5120xf32, #tpu.memory_space<vmem>>, vector<16xf32>,
        tpu.vector_store %arg6[%swap3A_1156], %sub3A_1155 {strides = array<i32>} : memref<5120xf32, #tpu.memory_space<vmem>>, vector<16xf32>,
        %reduce_max3A_1158 = arith.constant true
        %reduce_max3A_1159 = vector.broadcast %reduce_max3A_1158 : i1 to vector<16xi1>
        %reduce_max3A_1160 = tpu.scan <max>, %sub3A_1155 masked %reduce_max3A_1159 : vector<16xf32>, vector<16xi1> -> vector<16xf32>
        %reduce_max3A_1161 = vector.extract %reduce_max3A_1160[15] : f32 from vector<16xf32>
        %add3A_1162 = arith.constant 64 : i32
        %add3A_1163 = arith.addi %mul3A_1109, %add3A_1162 : i32
        %get3A_1164 = arith.index_cast %add3A_1163 : i32 to index
        %get3A_1165 = tpu.vector_load %arg7[%get3A_1164] {strides = array<i32>} : memref<5120xf32, #tpu.memory_space<vmem>>, vector<16xf32>,
        %get3A_1166 = arith.index_cast %add3A_1163 : i32 to index
        %get3A_1167 = tpu.vector_load %arg6[%get3A_1166] {strides = array<i32>} : memref<5120xf32, #tpu.memory_space<vmem>>, vector<16xf32>,
        %sub3A_1168 = arith.subf %get3A_1165, %get3A_1167 : vector<16xf32>
        %swap3A_1169 = arith.index_cast %add3A_1163 : i32 to index
        %swap3A_1170 = tpu.vector_load %arg6[%swap3A_1169] {strides = array<i32>} : memref<5120xf32, #tpu.memory_space<vmem>>, vector<16xf32>,
        tpu.vector_store %arg6[%swap3A_1169], %sub3A_1168 {strides = array<i32>} : memref<5120xf32, #tpu.memory_space<vmem>>, vector<16xf32>,
        %reduce_max3A_1171 = arith.constant true
        %reduce_max3A_1172 = vector.broadcast %reduce_max3A_1171 : i1 to vector<16xi1>
        %reduce_max3A_1173 = tpu.scan <max>, %sub3A_1168 masked %reduce_max3A_1172 : vector<16xf32>, vector<16xi1> -> vector<16xf32>
        %reduce_max3A_1174 = vector.extract %reduce_max3A_1173[15] : f32 from vector<16xf32>
        %add3A_1175 = arith.constant 80 : i32
        %add3A_1176 = arith.addi %mul3A_1109, %add3A_1175 : i32
        %get3A_1177 = arith.index_cast %add3A_1176 : i32 to index
        %get3A_1178 = tpu.vector_load %arg7[%get3A_1177] {strides = array<i32>} : memref<5120xf32, #tpu.memory_space<vmem>>, vector<16xf32>,
        %get3A_1179 = arith.index_cast %add3A_1176 : i32 to index
        %get3A_1180 = tpu.vector_load %arg6[%get3A_1179] {strides = array<i32>} : memref<5120xf32, #tpu.memory_space<vmem>>, vector<16xf32>,
        %sub3A_1181 = arith.subf %get3A_1178, %get3A_1180 : vector<16xf32>
        %swap3A_1182 = arith.index_cast %add3A_1176 : i32 to index
        %swap3A_1183 = tpu.vector_load %arg6[%swap3A_1182] {strides = array<i32>} : memref<5120xf32, #tpu.memory_space<vmem>>, vector<16xf32>,
        tpu.vector_store %arg6[%swap3A_1182], %sub3A_1181 {strides = array<i32>} : memref<5120xf32, #tpu.memory_space<vmem>>, vector<16xf32>,
        %reduce_max3A_1184 = arith.constant true
        %reduce_max3A_1185 = vector.broadcast %reduce_max3A_1184 : i1 to vector<16xi1>
        %reduce_max3A_1186 = tpu.scan <max>, %sub3A_1181 masked %reduce_max3A_1185 : vector<16xf32>, vector<16xi1> -> vector<16xf32>
        %reduce_max3A_1187 = vector.extract %reduce_max3A_1186[15] : f32 from vector<16xf32>
        %add3A_1188 = arith.constant 96 : i32
        %add3A_1189 = arith.addi %mul3A_1109, %add3A_1188 : i32
        %get3A_1190 = arith.index_cast %add3A_1189 : i32 to index
        %get3A_1191 = tpu.vector_load %arg7[%get3A_1190] {strides = array<i32>} : memref<5120xf32, #tpu.memory_space<vmem>>, vector<16xf32>,
        %get3A_1192 = arith.index_cast %add3A_1189 : i32 to index
        %get3A_1193 = tpu.vector_load %arg6[%get3A_1192] {strides = array<i32>} : memref<5120xf32, #tpu.memory_space<vmem>>, vector<16xf32>,
        %sub3A_1194 = arith.subf %get3A_1191, %get3A_1193 : vector<16xf32>
        %swap3A_1195 = arith.index_cast %add3A_1189 : i32 to index
        %swap3A_1196 = tpu.vector_load %arg6[%swap3A_1195] {strides = array<i32>} : memref<5120xf32, #tpu.memory_space<vmem>>, vector<16xf32>,
        tpu.vector_store %arg6[%swap3A_1195], %sub3A_1194 {strides = array<i32>} : memref<5120xf32, #tpu.memory_space<vmem>>, vector<16xf32>,
        %reduce_max3A_1197 = arith.constant true
        %reduce_max3A_1198 = vector.broadcast %reduce_max3A_1197 : i1 to vector<16xi1>
        %reduce_max3A_1199 = tpu.scan <max>, %sub3A_1194 masked %reduce_max3A_1198 : vector<16xf32>, vector<16xi1> -> vector<16xf32>
        %reduce_max3A_1200 = vector.extract %reduce_max3A_1199[15] : f32 from vector<16xf32>
        %add3A_1201 = arith.constant 112 : i32
        %add3A_1202 = arith.addi %mul3A_1109, %add3A_1201 : i32
        %get3A_1203 = arith.index_cast %add3A_1202 : i32 to index
        %get3A_1204 = tpu.vector_load %arg7[%get3A_1203] {strides = array<i32>} : memref<5120xf32, #tpu.memory_space<vmem>>, vector<16xf32>,
        %get3A_1205 = arith.index_cast %add3A_1202 : i32 to index
        %get3A_1206 = tpu.vector_load %arg6[%get3A_1205] {strides = array<i32>} : memref<5120xf32, #tpu.memory_space<vmem>>, vector<16xf32>,
        %sub3A_1207 = arith.subf %get3A_1204, %get3A_1206 : vector<16xf32>
        %swap3A_1208 = arith.index_cast %add3A_1202 : i32 to index
        %swap3A_1209 = tpu.vector_load %arg6[%swap3A_1208] {strides = array<i32>} : memref<5120xf32, #tpu.memory_space<vmem>>, vector<16xf32>,
        tpu.vector_store %arg6[%swap3A_1208], %sub3A_1207 {strides = array<i32>} : memref<5120xf32, #tpu.memory_space<vmem>>, vector<16xf32>,
        %reduce_max3A_1210 = arith.constant true
        %reduce_max3A_1211 = vector.broadcast %reduce_max3A_1210 : i1 to vector<16xi1>
        %reduce_max3A_1212 = tpu.scan <max>, %sub3A_1207 masked %reduce_max3A_1211 : vector<16xf32>, vector<16xi1> -> vector<16xf32>
        %reduce_max3A_1213 = vector.extract %reduce_max3A_1212[15] : f32 from vector<16xf32>
        %add3A_1214 = arith.constant 128 : i32
        %add3A_1215 = arith.addi %mul3A_1109, %add3A_1214 : i32
        %get3A_1216 = arith.index_cast %add3A_1215 : i32 to index
        %get3A_1217 = tpu.vector_load %arg7[%get3A_1216] {strides = array<i32>} : memref<5120xf32, #tpu.memory_space<vmem>>, vector<16xf32>,
        %get3A_1218 = arith.index_cast %add3A_1215 : i32 to index
        %get3A_1219 = tpu.vector_load %arg6[%get3A_1218] {strides = array<i32>} : memref<5120xf32, #tpu.memory_space<vmem>>, vector<16xf32>,
        %sub3A_1220 = arith.subf %get3A_1217, %get3A_1219 : vector<16xf32>
        %swap3A_1221 = arith.index_cast %add3A_1215 : i32 to index
        %swap3A_1222 = tpu.vector_load %arg6[%swap3A_1221] {strides = array<i32>} : memref<5120xf32, #tpu.memory_space<vmem>>, vector<16xf32>,
        tpu.vector_store %arg6[%swap3A_1221], %sub3A_1220 {strides = array<i32>} : memref<5120xf32, #tpu.memory_space<vmem>>, vector<16xf32>,
        %reduce_max3A_1223 = arith.constant true
        %reduce_max3A_1224 = vector.broadcast %reduce_max3A_1223 : i1 to vector<16xi1>
        %reduce_max3A_1225 = tpu.scan <max>, %sub3A_1220 masked %reduce_max3A_1224 : vector<16xf32>, vector<16xi1> -> vector<16xf32>
        %reduce_max3A_1226 = vector.extract %reduce_max3A_1225[15] : f32 from vector<16xf32>
        %add3A_1227 = arith.constant 144 : i32
        %add3A_1228 = arith.addi %mul3A_1109, %add3A_1227 : i32
        %get3A_1229 = arith.index_cast %add3A_1228 : i32 to index
        %get3A_1230 = tpu.vector_load %arg7[%get3A_1229] {strides = array<i32>} : memref<5120xf32, #tpu.memory_space<vmem>>, vector<16xf32>,
        %get3A_1231 = arith.index_cast %add3A_1228 : i32 to index
        %get3A_1232 = tpu.vector_load %arg6[%get3A_1231] {strides = array<i32>} : memref<5120xf32, #tpu.memory_space<vmem>>, vector<16xf32>,
        %sub3A_1233 = arith.subf %get3A_1230, %get3A_1232 : vector<16xf32>
        %swap3A_1234 = arith.index_cast %add3A_1228 : i32 to index
        %swap3A_1235 = tpu.vector_load %arg6[%swap3A_1234] {strides = array<i32>} : memref<5120xf32, #tpu.memory_space<vmem>>, vector<16xf32>,
        tpu.vector_store %arg6[%swap3A_1234], %sub3A_1233 {strides = array<i32>} : memref<5120xf32, #tpu.memory_space<vmem>>, vector<16xf32>,
        %reduce_max3A_1236 = arith.constant true
        %reduce_max3A_1237 = vector.broadcast %reduce_max3A_1236 : i1 to vector<16xi1>
        %reduce_max3A_1238 = tpu.scan <max>, %sub3A_1233 masked %reduce_max3A_1237 : vector<16xf32>, vector<16xi1> -> vector<16xf32>
        %reduce_max3A_1239 = vector.extract %reduce_max3A_1238[15] : f32 from vector<16xf32>
        %add3A_1240 = arith.constant 160 : i32
        %add3A_1241 = arith.addi %mul3A_1109, %add3A_1240 : i32
        %get3A_1242 = arith.index_cast %add3A_1241 : i32 to index
        %get3A_1243 = tpu.vector_load %arg7[%get3A_1242] {strides = array<i32>} : memref<5120xf32, #tpu.memory_space<vmem>>, vector<16xf32>,
        %get3A_1244 = arith.index_cast %add3A_1241 : i32 to index
        %get3A_1245 = tpu.vector_load %arg6[%get3A_1244] {strides = array<i32>} : memref<5120xf32, #tpu.memory_space<vmem>>, vector<16xf32>,
        %sub3A_1246 = arith.subf %get3A_1243, %get3A_1245 : vector<16xf32>
        %swap3A_1247 = arith.index_cast %add3A_1241 : i32 to index
        %swap3A_1248 = tpu.vector_load %arg6[%swap3A_1247] {strides = array<i32>} : memref<5120xf32, #tpu.memory_space<vmem>>, vector<16xf32>,
        tpu.vector_store %arg6[%swap3A_1247], %sub3A_1246 {strides = array<i32>} : memref<5120xf32, #tpu.memory_space<vmem>>, vector<16xf32>,
        %reduce_max3A_1249 = arith.constant true
        %reduce_max3A_1250 = vector.broadcast %reduce_max3A_1249 : i1 to vector<16xi1>
        %reduce_max3A_1251 = tpu.scan <max>, %sub3A_1246 masked %reduce_max3A_1250 : vector<16xf32>, vector<16xi1> -> vector<16xf32>
        %reduce_max3A_1252 = vector.extract %reduce_max3A_1251[15] : f32 from vector<16xf32>
        %add3A_1253 = arith.constant 176 : i32
        %add3A_1254 = arith.addi %mul3A_1109, %add3A_1253 : i32
        %get3A_1255 = arith.index_cast %add3A_1254 : i32 to index
        %get3A_1256 = tpu.vector_load %arg7[%get3A_1255] {strides = array<i32>} : memref<5120xf32, #tpu.memory_space<vmem>>, vector<16xf32>,
        %get3A_1257 = arith.index_cast %add3A_1254 : i32 to index
        %get3A_1258 = tpu.vector_load %arg6[%get3A_1257] {strides = array<i32>} : memref<5120xf32, #tpu.memory_space<vmem>>, vector<16xf32>,
        %sub3A_1259 = arith.subf %get3A_1256, %get3A_1258 : vector<16xf32>
        %swap3A_1260 = arith.index_cast %add3A_1254 : i32 to index
        %swap3A_1261 = tpu.vector_load %arg6[%swap3A_1260] {strides = array<i32>} : memref<5120xf32, #tpu.memory_space<vmem>>, vector<16xf32>,
        tpu.vector_store %arg6[%swap3A_1260], %sub3A_1259 {strides = array<i32>} : memref<5120xf32, #tpu.memory_space<vmem>>, vector<16xf32>,
        %reduce_max3A_1262 = arith.constant true
        %reduce_max3A_1263 = vector.broadcast %reduce_max3A_1262 : i1 to vector<16xi1>
        %reduce_max3A_1264 = tpu.scan <max>, %sub3A_1259 masked %reduce_max3A_1263 : vector<16xf32>, vector<16xi1> -> vector<16xf32>
        %reduce_max3A_1265 = vector.extract %reduce_max3A_1264[15] : f32 from vector<16xf32>
        %add3A_1266 = arith.constant 192 : i32
        %add3A_1267 = arith.addi %mul3A_1109, %add3A_1266 : i32
        %get3A_1268 = arith.index_cast %add3A_1267 : i32 to index
        %get3A_1269 = tpu.vector_load %arg7[%get3A_1268] {strides = array<i32>} : memref<5120xf32, #tpu.memory_space<vmem>>, vector<16xf32>,
        %get3A_1270 = arith.index_cast %add3A_1267 : i32 to index
        %get3A_1271 = tpu.vector_load %arg6[%get3A_1270] {strides = array<i32>} : memref<5120xf32, #tpu.memory_space<vmem>>, vector<16xf32>,
        %sub3A_1272 = arith.subf %get3A_1269, %get3A_1271 : vector<16xf32>
        %swap3A_1273 = arith.index_cast %add3A_1267 : i32 to index
        %swap3A_1274 = tpu.vector_load %arg6[%swap3A_1273] {strides = array<i32>} : memref<5120xf32, #tpu.memory_space<vmem>>, vector<16xf32>,
        tpu.vector_store %arg6[%swap3A_1273], %sub3A_1272 {strides = array<i32>} : memref<5120xf32, #tpu.memory_space<vmem>>, vector<16xf32>,
        %reduce_max3A_1275 = arith.constant true
        %reduce_max3A_1276 = vector.broadcast %reduce_max3A_1275 : i1 to vector<16xi1>
        %reduce_max3A_1277 = tpu.scan <max>, %sub3A_1272 masked %reduce_max3A_1276 : vector<16xf32>, vector<16xi1> -> vector<16xf32>
        %reduce_max3A_1278 = vector.extract %reduce_max3A_1277[15] : f32 from vector<16xf32>
        %add3A_1279 = arith.constant 208 : i32
        %add3A_1280 = arith.addi %mul3A_1109, %add3A_1279 : i32
        %get3A_1281 = arith.index_cast %add3A_1280 : i32 to index
        %get3A_1282 = tpu.vector_load %arg7[%get3A_1281] {strides = array<i32>} : memref<5120xf32, #tpu.memory_space<vmem>>, vector<16xf32>,
        %get3A_1283 = arith.index_cast %add3A_1280 : i32 to index
        %get3A_1284 = tpu.vector_load %arg6[%get3A_1283] {strides = array<i32>} : memref<5120xf32, #tpu.memory_space<vmem>>, vector<16xf32>,
        %sub3A_1285 = arith.subf %get3A_1282, %get3A_1284 : vector<16xf32>
        %swap3A_1286 = arith.index_cast %add3A_1280 : i32 to index
        %swap3A_1287 = tpu.vector_load %arg6[%swap3A_1286] {strides = array<i32>} : memref<5120xf32, #tpu.memory_space<vmem>>, vector<16xf32>,
        tpu.vector_store %arg6[%swap3A_1286], %sub3A_1285 {strides = array<i32>} : memref<5120xf32, #tpu.memory_space<vmem>>, vector<16xf32>,
        %reduce_max3A_1288 = arith.constant true
        %reduce_max3A_1289 = vector.broadcast %reduce_max3A_1288 : i1 to vector<16xi1>
        %reduce_max3A_1290 = tpu.scan <max>, %sub3A_1285 masked %reduce_max3A_1289 : vector<16xf32>, vector<16xi1> -> vector<16xf32>
        %reduce_max3A_1291 = vector.extract %reduce_max3A_1290[15] : f32 from vector<16xf32>
        %add3A_1292 = arith.constant 224 : i32
        %add3A_1293 = arith.addi %mul3A_1109, %add3A_1292 : i32
        %get3A_1294 = arith.index_cast %add3A_1293 : i32 to index
        %get3A_1295 = tpu.vector_load %arg7[%get3A_1294] {strides = array<i32>} : memref<5120xf32, #tpu.memory_space<vmem>>, vector<16xf32>,
        %get3A_1296 = arith.index_cast %add3A_1293 : i32 to index
        %get3A_1297 = tpu.vector_load %arg6[%get3A_1296] {strides = array<i32>} : memref<5120xf32, #tpu.memory_space<vmem>>, vector<16xf32>,
        %sub3A_1298 = arith.subf %get3A_1295, %get3A_1297 : vector<16xf32>
        %swap3A_1299 = arith.index_cast %add3A_1293 : i32 to index
        %swap3A_1300 = tpu.vector_load %arg6[%swap3A_1299] {strides = array<i32>} : memref<5120xf32, #tpu.memory_space<vmem>>, vector<16xf32>,
        tpu.vector_store %arg6[%swap3A_1299], %sub3A_1298 {strides = array<i32>} : memref<5120xf32, #tpu.memory_space<vmem>>, vector<16xf32>,
        %reduce_max3A_1301 = arith.constant true
        %reduce_max3A_1302 = vector.broadcast %reduce_max3A_1301 : i1 to vector<16xi1>
        %reduce_max3A_1303 = tpu.scan <max>, %sub3A_1298 masked %reduce_max3A_1302 : vector<16xf32>, vector<16xi1> -> vector<16xf32>
        %reduce_max3A_1304 = vector.extract %reduce_max3A_1303[15] : f32 from vector<16xf32>
        %add3A_1305 = arith.constant 240 : i32
        %add3A_1306 = arith.addi %mul3A_1109, %add3A_1305 : i32
        %get3A_1307 = arith.index_cast %add3A_1306 : i32 to index
        %get3A_1308 = tpu.vector_load %arg7[%get3A_1307] {strides = array<i32>} : memref<5120xf32, #tpu.memory_space<vmem>>, vector<16xf32>,
        %get3A_1309 = arith.index_cast %add3A_1306 : i32 to index
        %get3A_1310 = tpu.vector_load %arg6[%get3A_1309] {strides = array<i32>} : memref<5120xf32, #tpu.memory_space<vmem>>, vector<16xf32>,
        %sub3A_1311 = arith.subf %get3A_1308, %get3A_1310 : vector<16xf32>
        %swap3A_1312 = arith.index_cast %add3A_1306 : i32 to index
        %swap3A_1313 = tpu.vector_load %arg6[%swap3A_1312] {strides = array<i32>} : memref<5120xf32, #tpu.memory_space<vmem>>, vector<16xf32>,
        tpu.vector_store %arg6[%swap3A_1312], %sub3A_1311 {strides = array<i32>} : memref<5120xf32, #tpu.memory_space<vmem>>, vector<16xf32>,
        %reduce_max3A_1314 = arith.constant true
        %reduce_max3A_1315 = vector.broadcast %reduce_max3A_1314 : i1 to vector<16xi1>
        %reduce_max3A_1316 = tpu.scan <max>, %sub3A_1311 masked %reduce_max3A_1315 : vector<16xf32>, vector<16xi1> -> vector<16xf32>
        %reduce_max3A_1317 = vector.extract %reduce_max3A_1316[15] : f32 from vector<16xf32>
        %broadcast_in_dim3A_1318 = vector.broadcast %reduce_max3A_1122 : f32 to vector<16xf32>
        %eq3A_1319 = arith.constant 1 : i32
        %eq3A_1320 = vector.broadcast %eq3A_1319 : i32 to vector<16xi32>
        %eq3A_1321 = arith.cmpi eq, %iota3A, %eq3A_1320 : vector<16xi32>
        %broadcast_in_dim3A_1322 = vector.broadcast %reduce_max3A_1135 : f32 to vector<16xf32>
        %select_n3A_1323 = arith.select %eq3A_1321, %broadcast_in_dim3A_1322, %broadcast_in_dim3A_1318 : vector<16xi1>, vector<16xf32>
        %eq3A_1324 = arith.constant 2 : i32
        %eq3A_1325 = vector.broadcast %eq3A_1324 : i32 to vector<16xi32>
        %eq3A_1326 = arith.cmpi eq, %iota3A, %eq3A_1325 : vector<16xi32>
        %broadcast_in_dim3A_1327 = vector.broadcast %reduce_max3A_1148 : f32 to vector<16xf32>
        %select_n3A_1328 = arith.select %eq3A_1326, %broadcast_in_dim3A_1327, %select_n3A_1323 : vector<16xi1>, vector<16xf32>
        %eq3A_1329 = arith.constant 3 : i32
        %eq3A_1330 = vector.broadcast %eq3A_1329 : i32 to vector<16xi32>
        %eq3A_1331 = arith.cmpi eq, %iota3A, %eq3A_1330 : vector<16xi32>
        %broadcast_in_dim3A_1332 = vector.broadcast %reduce_max3A_1161 : f32 to vector<16xf32>
        %select_n3A_1333 = arith.select %eq3A_1331, %broadcast_in_dim3A_1332, %select_n3A_1328 : vector<16xi1>, vector<16xf32>
        %eq3A_1334 = arith.constant 4 : i32
        %eq3A_1335 = vector.broadcast %eq3A_1334 : i32 to vector<16xi32>
        %eq3A_1336 = arith.cmpi eq, %iota3A, %eq3A_1335 : vector<16xi32>
        %broadcast_in_dim3A_1337 = vector.broadcast %reduce_max3A_1174 : f32 to vector<16xf32>
        %select_n3A_1338 = arith.select %eq3A_1336, %broadcast_in_dim3A_1337, %select_n3A_1333 : vector<16xi1>, vector<16xf32>
        %eq3A_1339 = arith.constant 5 : i32
        %eq3A_1340 = vector.broadcast %eq3A_1339 : i32 to vector<16xi32>
        %eq3A_1341 = arith.cmpi eq, %iota3A, %eq3A_1340 : vector<16xi32>
        %broadcast_in_dim3A_1342 = vector.broadcast %reduce_max3A_1187 : f32 to vector<16xf32>
        %select_n3A_1343 = arith.select %eq3A_1341, %broadcast_in_dim3A_1342, %select_n3A_1338 : vector<16xi1>, vector<16xf32>
        %eq3A_1344 = arith.constant 6 : i32
        %eq3A_1345 = vector.broadcast %eq3A_1344 : i32 to vector<16xi32>
        %eq3A_1346 = arith.cmpi eq, %iota3A, %eq3A_1345 : vector<16xi32>
        %broadcast_in_dim3A_1347 = vector.broadcast %reduce_max3A_1200 : f32 to vector<16xf32>
        %select_n3A_1348 = arith.select %eq3A_1346, %broadcast_in_dim3A_1347, %select_n3A_1343 : vector<16xi1>, vector<16xf32>
        %eq3A_1349 = arith.constant 7 : i32
        %eq3A_1350 = vector.broadcast %eq3A_1349 : i32 to vector<16xi32>
        %eq3A_1351 = arith.cmpi eq, %iota3A, %eq3A_1350 : vector<16xi32>
        %broadcast_in_dim3A_1352 = vector.broadcast %reduce_max3A_1213 : f32 to vector<16xf32>
        %select_n3A_1353 = arith.select %eq3A_1351, %broadcast_in_dim3A_1352, %select_n3A_1348 : vector<16xi1>, vector<16xf32>
        %eq3A_1354 = arith.constant 8 : i32
        %eq3A_1355 = vector.broadcast %eq3A_1354 : i32 to vector<16xi32>
        %eq3A_1356 = arith.cmpi eq, %iota3A, %eq3A_1355 : vector<16xi32>
        %broadcast_in_dim3A_1357 = vector.broadcast %reduce_max3A_1226 : f32 to vector<16xf32>
        %select_n3A_1358 = arith.select %eq3A_1356, %broadcast_in_dim3A_1357, %select_n3A_1353 : vector<16xi1>, vector<16xf32>
        %eq3A_1359 = arith.constant 9 : i32
        %eq3A_1360 = vector.broadcast %eq3A_1359 : i32 to vector<16xi32>
        %eq3A_1361 = arith.cmpi eq, %iota3A, %eq3A_1360 : vector<16xi32>
        %broadcast_in_dim3A_1362 = vector.broadcast %reduce_max3A_1239 : f32 to vector<16xf32>
        %select_n3A_1363 = arith.select %eq3A_1361, %broadcast_in_dim3A_1362, %select_n3A_1358 : vector<16xi1>, vector<16xf32>
        %eq3A_1364 = arith.constant 10 : i32
        %eq3A_1365 = vector.broadcast %eq3A_1364 : i32 to vector<16xi32>
        %eq3A_1366 = arith.cmpi eq, %iota3A, %eq3A_1365 : vector<16xi32>
        %broadcast_in_dim3A_1367 = vector.broadcast %reduce_max3A_1252 : f32 to vector<16xf32>
        %select_n3A_1368 = arith.select %eq3A_1366, %broadcast_in_dim3A_1367, %select_n3A_1363 : vector<16xi1>, vector<16xf32>
        %eq3A_1369 = arith.constant 11 : i32
        %eq3A_1370 = vector.broadcast %eq3A_1369 : i32 to vector<16xi32>
        %eq3A_1371 = arith.cmpi eq, %iota3A, %eq3A_1370 : vector<16xi32>
        %broadcast_in_dim3A_1372 = vector.broadcast %reduce_max3A_1265 : f32 to vector<16xf32>
        %select_n3A_1373 = arith.select %eq3A_1371, %broadcast_in_dim3A_1372, %select_n3A_1368 : vector<16xi1>, vector<16xf32>
        %eq3A_1374 = arith.constant 12 : i32
        %eq3A_1375 = vector.broadcast %eq3A_1374 : i32 to vector<16xi32>
        %eq3A_1376 = arith.cmpi eq, %iota3A, %eq3A_1375 : vector<16xi32>
        %broadcast_in_dim3A_1377 = vector.broadcast %reduce_max3A_1278 : f32 to vector<16xf32>
        %select_n3A_1378 = arith.select %eq3A_1376, %broadcast_in_dim3A_1377, %select_n3A_1373 : vector<16xi1>, vector<16xf32>
        %eq3A_1379 = arith.constant 13 : i32
        %eq3A_1380 = vector.broadcast %eq3A_1379 : i32 to vector<16xi32>
        %eq3A_1381 = arith.cmpi eq, %iota3A, %eq3A_1380 : vector<16xi32>
        %broadcast_in_dim3A_1382 = vector.broadcast %reduce_max3A_1291 : f32 to vector<16xf32>
        %select_n3A_1383 = arith.select %eq3A_1381, %broadcast_in_dim3A_1382, %select_n3A_1378 : vector<16xi1>, vector<16xf32>
        %eq3A_1384 = arith.constant 14 : i32
        %eq3A_1385 = vector.broadcast %eq3A_1384 : i32 to vector<16xi32>
        %eq3A_1386 = arith.cmpi eq, %iota3A, %eq3A_1385 : vector<16xi32>
        %broadcast_in_dim3A_1387 = vector.broadcast %reduce_max3A_1304 : f32 to vector<16xf32>
        %select_n3A_1388 = arith.select %eq3A_1386, %broadcast_in_dim3A_1387, %select_n3A_1383 : vector<16xi1>, vector<16xf32>
        %eq3A_1389 = arith.constant 15 : i32
        %eq3A_1390 = vector.broadcast %eq3A_1389 : i32 to vector<16xi32>
        %eq3A_1391 = arith.cmpi eq, %iota3A, %eq3A_1390 : vector<16xi32>
        %broadcast_in_dim3A_1392 = vector.broadcast %reduce_max3A_1317 : f32 to vector<16xf32>
        %select_n3A_1393 = arith.select %eq3A_1391, %broadcast_in_dim3A_1392, %select_n3A_1388 : vector<16xi1>, vector<16xf32>
        %mul3A_1394 = arith.constant 16 : i32
        %mul3A_1395 = arith.muli %scan3A_1105, %mul3A_1394 : i32
        %swap3A_1396 = arith.index_cast %mul3A_1395 : i32 to index
        %swap3A_1397 = tpu.vector_load %arg9[%swap3A_1396] {strides = array<i32>} : memref<320xf32, #tpu.memory_space<vmem>>, vector<16xf32>,
        tpu.vector_store %arg9[%swap3A_1396], %select_n3A_1393 {strides = array<i32>} : memref<320xf32, #tpu.memory_space<vmem>>, vector<16xf32>,
        %broadcast_in_dim3A_1398 = vector.broadcast %scan3A_1105 : i32 to vector<16xi32>
        %reduce_max3A_1399 = arith.constant true
        %reduce_max3A_1400 = vector.broadcast %reduce_max3A_1399 : i1 to vector<16xi1>
        %reduce_max3A_1401 = tpu.scan <max>, %select_n3A_1393 masked %reduce_max3A_1400 : vector<16xf32>, vector<16xi1> -> vector<16xf32>
        %reduce_max3A_1402 = vector.extract %reduce_max3A_1401[15] : f32 from vector<16xf32>
        %broadcast_in_dim3A_1403 = vector.broadcast %reduce_max3A_1402 : f32 to vector<16xf32>
        tpu.vector_store_idx %arg10[%broadcast_in_dim3A_1398], %broadcast_in_dim3A_1403 masked %eq3A_3 : memref<32xf32, #tpu.memory_space<vmem>>[vector<16xi32>], vector<16xf32>, vector<16xi1>
      }
      %scan3A_43 = arith.constant 20 : i32
      %broadcast_in_dim3A_44 = arith.constant 0 : i32
      %broadcast_in_dim3A_45 = vector.broadcast %broadcast_in_dim3A_44 : i32 to vector<16xi32>
      %swap3A_46 = arith.constant 0 : index
      %swap3A_47 = tpu.vector_load %arg11[%swap3A_46] {strides = array<i32>} : memref<32xi32, #tpu.memory_space<vmem>>, vector<16xi32>,
      tpu.vector_store %arg11[%swap3A_46], %broadcast_in_dim3A_45 {strides = array<i32>} : memref<32xi32, #tpu.memory_space<vmem>>, vector<16xi32>,
      %broadcast_in_dim3A_48 = arith.constant 0 : i32
      %broadcast_in_dim3A_49 = vector.broadcast %broadcast_in_dim3A_48 : i32 to vector<16xi32>
      %swap3A_50 = arith.constant 16 : index
      %swap3A_51 = tpu.vector_load %arg11[%swap3A_50] {strides = array<i32>} : memref<32xi32, #tpu.memory_space<vmem>>, vector<16xi32>,
      tpu.vector_store %arg11[%swap3A_50], %broadcast_in_dim3A_49 {strides = array<i32>} : memref<32xi32, #tpu.memory_space<vmem>>, vector<16xi32>,
      %get3A = arith.constant 0 : index
      %get3A_52 = tpu.vector_load %arg10[%get3A] {strides = array<i32>} : memref<32xf32, #tpu.memory_space<vmem>>, vector<16xf32>,
      %get3A_53 = arith.constant 16 : index
      %get3A_54 = tpu.vector_load %arg10[%get3A_53] {strides = array<i32>} : memref<32xf32, #tpu.memory_space<vmem>>, vector<16xf32>,
      %scan3A_55 = arith.constant 0 : i32
      %scan3A_56 = arith.constant 28 : i32
      %scan3A_57 = arith.addi %scan3A_55, %scan3A_56 : i32
      %scan3A_58 = arith.constant 1 : i32
      %scan3A_59:2 = scf.for %scan3A_1105 = %scan3A_55 to %scan3A_57 step %scan3A_58 iter_args(%scan3A_1106 = %get3A_52, %scan3A_1107 = %get3A_54) -> (vector<16xf32>, vector<16xf32>)  : i32 {
        %max3A_1108 = arith.maximumf %scan3A_1106, %scan3A_1107 : vector<16xf32>
        %reduce_max3A_1109 = arith.constant true
        %reduce_max3A_1110 = vector.broadcast %reduce_max3A_1109 : i1 to vector<16xi1>
        %reduce_max3A_1111 = tpu.scan <max>, %max3A_1108 masked %reduce_max3A_1110 : vector<16xf32>, vector<16xi1> -> vector<16xf32>
        %reduce_max3A_1112 = vector.extract %reduce_max3A_1111[15] : f32 from vector<16xf32>
        %eq3A_1113 = vector.broadcast %reduce_max3A_1112 : f32 to vector<16xf32>
        %eq3A_1114 = arith.cmpf oeq, %scan3A_1106, %eq3A_1113 : vector<16xf32>
        %all_reduce_ffs3A_1115 = tpu.all_reduce %eq3A_1114 {dim = 0 : i64, kind = #tpu.reduction_kind<find_first_set>} : vector<16xi1> -> vector<16xi32>
        %eq3A_1116 = vector.broadcast %reduce_max3A_1112 : f32 to vector<16xf32>
        %eq3A_1117 = arith.cmpf oeq, %scan3A_1107, %eq3A_1116 : vector<16xf32>
        %all_reduce_ffs3A_1118 = tpu.all_reduce %eq3A_1117 {dim = 0 : i64, kind = #tpu.reduction_kind<find_first_set>} : vector<16xi1> -> vector<16xi32>
        %lt3A_1119 = arith.constant 16 : i32
        %lt3A_1120 = vector.broadcast %lt3A_1119 : i32 to vector<16xi32>
        %lt3A_1121 = arith.cmpi slt, %all_reduce_ffs3A_1115, %lt3A_1120 : vector<16xi32>
        %add3A_1122 = arith.constant 16 : i32
        %add3A_1123 = vector.broadcast %add3A_1122 : i32 to vector<16xi32>
        %add3A_1124 = arith.addi %all_reduce_ffs3A_1118, %add3A_1123 : vector<16xi32>
        %select_n3A_1125 = arith.select %lt3A_1121, %all_reduce_ffs3A_1115, %add3A_1124 : vector<16xi1>, vector<16xi32>
        %mul3A_1126 = arith.constant 16 : i32
        %mul3A_1127 = vector.broadcast %mul3A_1126 : i32 to vector<16xi32>
        %mul3A_1128 = arith.muli %select_n3A_1125, %mul3A_1127 : vector<16xi32>
        %add3A_1129 = arith.addi %mul3A_1128, %iota3A : vector<16xi32>
        %gather3A_1130 = tpu.vector_load_idx %arg9[%add3A_1129] : memref<320xf32, #tpu.memory_space<vmem>>[vector<16xi32>], vector<16xf32>,
        %eq3A_1131 = vector.broadcast %reduce_max3A_1112 : f32 to vector<16xf32>
        %eq3A_1132 = arith.cmpf oeq, %gather3A_1130, %eq3A_1131 : vector<16xf32>
        %all_reduce_ffs3A_1133 = tpu.all_reduce %eq3A_1132 {dim = 0 : i64, kind = #tpu.reduction_kind<find_first_set>} : vector<16xi1> -> vector<16xi32>
        %mul3A_1134 = arith.constant 16 : i32
        %mul3A_1135 = vector.broadcast %mul3A_1134 : i32 to vector<16xi32>
        %mul3A_1136 = arith.muli %select_n3A_1125, %mul3A_1135 : vector<16xi32>
        %add3A_1137 = arith.addi %mul3A_1136, %all_reduce_ffs3A_1133 : vector<16xi32>
        %mul3A_1138 = arith.constant 16 : i32
        %mul3A_1139 = vector.broadcast %mul3A_1138 : i32 to vector<16xi32>
        %mul3A_1140 = arith.muli %add3A_1137, %mul3A_1139 : vector<16xi32>
        %add3A_1141 = arith.addi %mul3A_1140, %iota3A : vector<16xi32>
        %gather3A_1142 = tpu.vector_load_idx %arg6[%add3A_1141] : memref<5120xf32, #tpu.memory_space<vmem>>[vector<16xi32>], vector<16xf32>,
        %eq3A_1143 = vector.broadcast %reduce_max3A_1112 : f32 to vector<16xf32>
        %eq3A_1144 = arith.cmpf oeq, %gather3A_1142, %eq3A_1143 : vector<16xf32>
        %all_reduce_ffs3A_1145 = tpu.all_reduce %eq3A_1144 {dim = 0 : i64, kind = #tpu.reduction_kind<find_first_set>} : vector<16xi1> -> vector<16xi32>
        %mul3A_1146 = arith.constant 16 : i32
        %mul3A_1147 = vector.broadcast %mul3A_1146 : i32 to vector<16xi32>
        %mul3A_1148 = arith.muli %add3A_1137, %mul3A_1147 : vector<16xi32>
        %add3A_1149 = arith.addi %mul3A_1148, %all_reduce_ffs3A_1145 : vector<16xi32>
        %broadcast_in_dim3A_1150 = vector.broadcast %scan3A_1105 : i32 to vector<16xi32>
        tpu.vector_store_idx %arg11[%broadcast_in_dim3A_1150], %add3A_1149 masked %eq3A_3 : memref<32xi32, #tpu.memory_space<vmem>>[vector<16xi32>], vector<16xi32>, vector<16xi1>
        %broadcast_in_dim3A_1151 = arith.constant -3.000000e+38 : f32
        %broadcast_in_dim3A_1152 = vector.broadcast %broadcast_in_dim3A_1151 : f32 to vector<16xf32>
        tpu.vector_store_idx %arg6[%add3A_1149], %broadcast_in_dim3A_1152 masked %eq3A_3 : memref<5120xf32, #tpu.memory_space<vmem>>[vector<16xi32>], vector<16xf32>, vector<16xi1>
        %eq3A_1153 = arith.cmpi eq, %iota3A, %all_reduce_ffs3A_1145 : vector<16xi32>
        %jit3A_1154 = arith.constant -3.000000e+38 : f32
        %broadcast_in_dim3A_1155 = vector.broadcast %jit3A_1154 : f32 to vector<16xf32>
        %select_n3A_1156 = arith.select %eq3A_1153, %broadcast_in_dim3A_1155, %gather3A_1142 : vector<16xi1>, vector<16xf32>
        %reduce_max3A_1157 = arith.constant true
        %reduce_max3A_1158 = vector.broadcast %reduce_max3A_1157 : i1 to vector<16xi1>
        %reduce_max3A_1159 = tpu.scan <max>, %select_n3A_1156 masked %reduce_max3A_1158 : vector<16xf32>, vector<16xi1> -> vector<16xf32>
        %reduce_max3A_1160 = vector.extract %reduce_max3A_1159[15] : f32 from vector<16xf32>
        %broadcast_in_dim3A_1161 = vector.broadcast %reduce_max3A_1160 : f32 to vector<16xf32>
        tpu.vector_store_idx %arg9[%add3A_1137], %broadcast_in_dim3A_1161 masked %eq3A_3 : memref<320xf32, #tpu.memory_space<vmem>>[vector<16xi32>], vector<16xf32>, vector<16xi1>
        %eq3A_1162 = arith.cmpi eq, %iota3A, %all_reduce_ffs3A_1133 : vector<16xi32>
        %jit3A_1163 = arith.constant -3.000000e+38 : f32
        %broadcast_in_dim3A_1164 = vector.broadcast %jit3A_1163 : f32 to vector<16xf32>
        %select_n3A_1165 = arith.select %eq3A_1162, %broadcast_in_dim3A_1164, %gather3A_1130 : vector<16xi1>, vector<16xf32>
        %reduce_max3A_1166 = arith.constant true
        %reduce_max3A_1167 = vector.broadcast %reduce_max3A_1166 : i1 to vector<16xi1>
        %reduce_max3A_1168 = tpu.scan <max>, %select_n3A_1165 masked %reduce_max3A_1167 : vector<16xf32>, vector<16xi1> -> vector<16xf32>
        %reduce_max3A_1169 = vector.extract %reduce_max3A_1168[15] : f32 from vector<16xf32>
        %max3A_1170 = arith.maximumf %reduce_max3A_1169, %reduce_max3A_1160 : f32
        %eq3A_1171 = arith.cmpi eq, %iota3A, %select_n3A_1125 : vector<16xi32>
        %and3A_1172 = arith.andi %eq3A_1171, %lt3A_1121 : vector<16xi1>
        %broadcast_in_dim3A_1173 = vector.broadcast %max3A_1170 : f32 to vector<16xf32>
        %select_n3A_1174 = arith.select %and3A_1172, %broadcast_in_dim3A_1173, %scan3A_1106 : vector<16xi1>, vector<16xf32>
        %sub3A_1175 = arith.constant 16 : i32
        %sub3A_1176 = vector.broadcast %sub3A_1175 : i32 to vector<16xi32>
        %sub3A_1177 = arith.subi %select_n3A_1125, %sub3A_1176 : vector<16xi32>
        %eq3A_1178 = arith.cmpi eq, %iota3A, %sub3A_1177 : vector<16xi32>
        %not3A_1179 = arith.constant dense<true> : vector<16xi1>
        %not3A_1180 = arith.xori %lt3A_1121, %not3A_1179 : vector<16xi1>
        %and3A_1181 = arith.andi %eq3A_1178, %not3A_1180 : vector<16xi1>
        %broadcast_in_dim3A_1182 = vector.broadcast %max3A_1170 : f32 to vector<16xf32>
        %select_n3A_1183 = arith.select %and3A_1181, %broadcast_in_dim3A_1182, %scan3A_1107 : vector<16xi1>, vector<16xf32>
        scf.yield %select_n3A_1174, %select_n3A_1183 : vector<16xf32>, vector<16xf32>
      }
      %scan3A_60 = arith.constant 28 : i32
      %dma_wait3A_61 = arith.constant 0 : i32
      %dma_wait3A_62 = arith.constant 0 : i32
      %dma_wait3A_63 = tpu.memref_slice %arg2[%arg1, %dma_wait3A_61, %dma_wait3A_62] : memref<16x4x5120xf32, #tpu.memory_space<hbm>> -> memref<1x4x5120xf32, #tpu.memory_space<hbm>>
      %dma_wait3A_64 = tpu.memref_squeeze %dma_wait3A_63 : memref<1x4x5120xf32, #tpu.memory_space<hbm>> -> memref<4x5120xf32, #tpu.memory_space<hbm>>
      %dma_wait3A_65 = arith.constant 0 : i32
      %dma_wait3A_66 = arith.constant 0 : i32
      %dma_wait3A_67 = tpu.memref_slice %arg2[%arg1, %dma_wait3A_65, %dma_wait3A_66] : memref<16x4x5120xf32, #tpu.memory_space<hbm>> -> memref<1x4x5120xf32, #tpu.memory_space<hbm>>
      %dma_wait3A_68 = tpu.memref_squeeze %dma_wait3A_67 : memref<1x4x5120xf32, #tpu.memory_space<hbm>> -> memref<4x5120xf32, #tpu.memory_space<hbm>>
      tpu.wait_dma2 semaphore(%arg14 : memref<!tpu.dma_semaphore, #tpu.memory_space<semaphore_mem>>) src(%dma_wait3A_68 : memref<4x5120xf32, #tpu.memory_space<hbm>>) dst(%arg8 : memref<4x5120xf32, #tpu.memory_space<vmem>>)
      %get3A_69 = arith.constant 0 : index
      %get3A_70 = tpu.vector_load %arg11[%get3A_69] {strides = array<i32>} : memref<32xi32, #tpu.memory_space<vmem>>, vector<16xi32>,
      %get3A_71 = arith.constant 16 : index
      %get3A_72 = tpu.vector_load %arg11[%get3A_71] {strides = array<i32>} : memref<32xi32, #tpu.memory_space<vmem>>, vector<16xi32>,
      %broadcast_in_dim3A_73 = arith.constant 0 : i32
      %broadcast_in_dim3A_74 = vector.broadcast %broadcast_in_dim3A_73 : i32 to vector<16xi32>
      %gather3A = tpu.vector_load_idx %arg8[%broadcast_in_dim3A_74, %get3A_70] : memref<4x5120xf32, #tpu.memory_space<vmem>>[vector<16xi32>, vector<16xi32>], vector<16xf32>,
      %gather3A_75 = tpu.vector_load_idx %arg8[%broadcast_in_dim3A_74, %get3A_72] : memref<4x5120xf32, #tpu.memory_space<vmem>>[vector<16xi32>, vector<16xi32>], vector<16xf32>,
      %swap3A_76 = arith.constant 0 : i32
      %swap3A_77 = arith.index_cast %swap3A_76 : i32 to index
      %swap3A_78 = arith.constant 0 : index
      %swap3A_79 = tpu.vector_load %arg12[%swap3A_77, %swap3A_78] {strides = array<i32>} : memref<4x32xf32, #tpu.memory_space<vmem>>, vector<16xf32>,
      tpu.vector_store %arg12[%swap3A_77, %swap3A_78], %gather3A {strides = array<i32>} : memref<4x32xf32, #tpu.memory_space<vmem>>, vector<16xf32>,
      %swap3A_80 = arith.constant 0 : i32
      %swap3A_81 = arith.index_cast %swap3A_80 : i32 to index
      %swap3A_82 = arith.constant 16 : index
      %swap3A_83 = tpu.vector_load %arg12[%swap3A_81, %swap3A_82] {strides = array<i32>} : memref<4x32xf32, #tpu.memory_space<vmem>>, vector<16xf32>,
      tpu.vector_store %arg12[%swap3A_81, %swap3A_82], %gather3A_75 {strides = array<i32>} : memref<4x32xf32, #tpu.memory_space<vmem>>, vector<16xf32>,
      %broadcast_in_dim3A_84 = arith.constant 1 : i32
      %broadcast_in_dim3A_85 = vector.broadcast %broadcast_in_dim3A_84 : i32 to vector<16xi32>
      %gather3A_86 = tpu.vector_load_idx %arg8[%broadcast_in_dim3A_85, %get3A_70] : memref<4x5120xf32, #tpu.memory_space<vmem>>[vector<16xi32>, vector<16xi32>], vector<16xf32>,
      %gather3A_87 = tpu.vector_load_idx %arg8[%broadcast_in_dim3A_85, %get3A_72] : memref<4x5120xf32, #tpu.memory_space<vmem>>[vector<16xi32>, vector<16xi32>], vector<16xf32>,
      %swap3A_88 = arith.constant 1 : i32
      %swap3A_89 = arith.index_cast %swap3A_88 : i32 to index
      %swap3A_90 = arith.constant 0 : index
      %swap3A_91 = tpu.vector_load %arg12[%swap3A_89, %swap3A_90] {strides = array<i32>} : memref<4x32xf32, #tpu.memory_space<vmem>>, vector<16xf32>,
      tpu.vector_store %arg12[%swap3A_89, %swap3A_90], %gather3A_86 {strides = array<i32>} : memref<4x32xf32, #tpu.memory_space<vmem>>, vector<16xf32>,
      %swap3A_92 = arith.constant 1 : i32
      %swap3A_93 = arith.index_cast %swap3A_92 : i32 to index
      %swap3A_94 = arith.constant 16 : index
      %swap3A_95 = tpu.vector_load %arg12[%swap3A_93, %swap3A_94] {strides = array<i32>} : memref<4x32xf32, #tpu.memory_space<vmem>>, vector<16xf32>,
      tpu.vector_store %arg12[%swap3A_93, %swap3A_94], %gather3A_87 {strides = array<i32>} : memref<4x32xf32, #tpu.memory_space<vmem>>, vector<16xf32>,
      %broadcast_in_dim3A_96 = arith.constant 2 : i32
      %broadcast_in_dim3A_97 = vector.broadcast %broadcast_in_dim3A_96 : i32 to vector<16xi32>
      %gather3A_98 = tpu.vector_load_idx %arg8[%broadcast_in_dim3A_97, %get3A_70] : memref<4x5120xf32, #tpu.memory_space<vmem>>[vector<16xi32>, vector<16xi32>], vector<16xf32>,
      %gather3A_99 = tpu.vector_load_idx %arg8[%broadcast_in_dim3A_97, %get3A_72] : memref<4x5120xf32, #tpu.memory_space<vmem>>[vector<16xi32>, vector<16xi32>], vector<16xf32>,
      %swap3A_100 = arith.constant 2 : i32
      %swap3A_101 = arith.index_cast %swap3A_100 : i32 to index
      %swap3A_102 = arith.constant 0 : index
      %swap3A_103 = tpu.vector_load %arg12[%swap3A_101, %swap3A_102] {strides = array<i32>} : memref<4x32xf32, #tpu.memory_space<vmem>>, vector<16xf32>,
      tpu.vector_store %arg12[%swap3A_101, %swap3A_102], %gather3A_98 {strides = array<i32>} : memref<4x32xf32, #tpu.memory_space<vmem>>, vector<16xf32>,
      %swap3A_104 = arith.constant 2 : i32
      %swap3A_105 = arith.index_cast %swap3A_104 : i32 to index
      %swap3A_106 = arith.constant 16 : index
      %swap3A_107 = tpu.vector_load %arg12[%swap3A_105, %swap3A_106] {strides = array<i32>} : memref<4x32xf32, #tpu.memory_space<vmem>>, vector<16xf32>,
      tpu.vector_store %arg12[%swap3A_105, %swap3A_106], %gather3A_99 {strides = array<i32>} : memref<4x32xf32, #tpu.memory_space<vmem>>, vector<16xf32>,
      %broadcast_in_dim3A_108 = arith.constant 3 : i32
      %broadcast_in_dim3A_109 = vector.broadcast %broadcast_in_dim3A_108 : i32 to vector<16xi32>
      %gather3A_110 = tpu.vector_load_idx %arg8[%broadcast_in_dim3A_109, %get3A_70] : memref<4x5120xf32, #tpu.memory_space<vmem>>[vector<16xi32>, vector<16xi32>], vector<16xf32>,
      %gather3A_111 = tpu.vector_load_idx %arg8[%broadcast_in_dim3A_109, %get3A_72] : memref<4x5120xf32, #tpu.memory_space<vmem>>[vector<16xi32>, vector<16xi32>], vector<16xf32>,
      %swap3A_112 = arith.constant 3 : i32
      %swap3A_113 = arith.index_cast %swap3A_112 : i32 to index
      %swap3A_114 = arith.constant 0 : index
      %swap3A_115 = tpu.vector_load %arg12[%swap3A_113, %swap3A_114] {strides = array<i32>} : memref<4x32xf32, #tpu.memory_space<vmem>>, vector<16xf32>,
      tpu.vector_store %arg12[%swap3A_113, %swap3A_114], %gather3A_110 {strides = array<i32>} : memref<4x32xf32, #tpu.memory_space<vmem>>, vector<16xf32>,
      %swap3A_116 = arith.constant 3 : i32
      %swap3A_117 = arith.index_cast %swap3A_116 : i32 to index
      %swap3A_118 = arith.constant 16 : index
      %swap3A_119 = tpu.vector_load %arg12[%swap3A_117, %swap3A_118] {strides = array<i32>} : memref<4x32xf32, #tpu.memory_space<vmem>>, vector<16xf32>,
      tpu.vector_store %arg12[%swap3A_117, %swap3A_118], %gather3A_111 {strides = array<i32>} : memref<4x32xf32, #tpu.memory_space<vmem>>, vector<16xf32>,
      %sub3A = arith.subf %gather3A_98, %gather3A : vector<16xf32>
      %sub3A_120 = arith.subf %gather3A_110, %gather3A_86 : vector<16xf32>
      %mul3A = arith.mulf %sub3A, %sub3A_120 : vector<16xf32>
      %sub3A_121 = arith.subf %gather3A_99, %gather3A_75 : vector<16xf32>
      %sub3A_122 = arith.subf %gather3A_111, %gather3A_87 : vector<16xf32>
      %mul3A_123 = arith.mulf %sub3A_121, %sub3A_122 : vector<16xf32>
      %broadcast_in_dim3A_124 = arith.constant true
      %broadcast_in_dim3A_125 = vector.broadcast %broadcast_in_dim3A_124 : i1 to vector<16xi1>
      %lt3A = arith.constant 8 : i32
      %lt3A_126 = vector.broadcast %lt3A : i32 to vector<16xi32>
      %lt3A_127 = arith.cmpi slt, %iota3A, %lt3A_126 : vector<16xi32>
      %broadcast_in_dim3A_128 = arith.constant false
      %broadcast_in_dim3A_129 = vector.broadcast %broadcast_in_dim3A_128 : i1 to vector<16xi1>
      %broadcast_in_dim3A_130 = arith.constant 0 : i32
      %broadcast_in_dim3A_131 = vector.broadcast %broadcast_in_dim3A_130 : i32 to vector<16xi32>
      %broadcast_in_dim3A_132 = arith.constant 24 : i32
      %broadcast_in_dim3A_133 = vector.broadcast %broadcast_in_dim3A_132 : i32 to vector<16xi32>
      %gather3A_134 = tpu.vector_load_idx %arg12[%broadcast_in_dim3A_131, %broadcast_in_dim3A_133] : memref<4x32xf32, #tpu.memory_space<vmem>>[vector<16xi32>, vector<16xi32>], vector<16xf32>,
      %broadcast_in_dim3A_135 = arith.constant 1 : i32
      %broadcast_in_dim3A_136 = vector.broadcast %broadcast_in_dim3A_135 : i32 to vector<16xi32>
      %broadcast_in_dim3A_137 = arith.constant 24 : i32
      %broadcast_in_dim3A_138 = vector.broadcast %broadcast_in_dim3A_137 : i32 to vector<16xi32>
      %gather3A_139 = tpu.vector_load_idx %arg12[%broadcast_in_dim3A_136, %broadcast_in_dim3A_138] : memref<4x32xf32, #tpu.memory_space<vmem>>[vector<16xi32>, vector<16xi32>], vector<16xf32>,
      %broadcast_in_dim3A_140 = arith.constant 2 : i32
      %broadcast_in_dim3A_141 = vector.broadcast %broadcast_in_dim3A_140 : i32 to vector<16xi32>
      %broadcast_in_dim3A_142 = arith.constant 24 : i32
      %broadcast_in_dim3A_143 = vector.broadcast %broadcast_in_dim3A_142 : i32 to vector<16xi32>
      %gather3A_144 = tpu.vector_load_idx %arg12[%broadcast_in_dim3A_141, %broadcast_in_dim3A_143] : memref<4x32xf32, #tpu.memory_space<vmem>>[vector<16xi32>, vector<16xi32>], vector<16xf32>,
      %broadcast_in_dim3A_145 = arith.constant 3 : i32
      %broadcast_in_dim3A_146 = vector.broadcast %broadcast_in_dim3A_145 : i32 to vector<16xi32>
      %broadcast_in_dim3A_147 = arith.constant 24 : i32
      %broadcast_in_dim3A_148 = vector.broadcast %broadcast_in_dim3A_147 : i32 to vector<16xi32>
      %gather3A_149 = tpu.vector_load_idx %arg12[%broadcast_in_dim3A_146, %broadcast_in_dim3A_148] : memref<4x32xf32, #tpu.memory_space<vmem>>[vector<16xi32>, vector<16xi32>], vector<16xf32>,
      %all_reduce_ffs3A = tpu.all_reduce %broadcast_in_dim3A_125 {dim = 0 : i64, kind = #tpu.reduction_kind<find_first_set>} : vector<16xi1> -> vector<16xi32>
      %all_reduce_ffs3A_150 = tpu.all_reduce %lt3A_127 {dim = 0 : i64, kind = #tpu.reduction_kind<find_first_set>} : vector<16xi1> -> vector<16xi32>
      %lt3A_151 = arith.constant 16 : i32
      %lt3A_152 = vector.broadcast %lt3A_151 : i32 to vector<16xi32>
      %lt3A_153 = arith.cmpi slt, %all_reduce_ffs3A, %lt3A_152 : vector<16xi32>
      %lt3A_154 = arith.constant 16 : i32
      %lt3A_155 = vector.broadcast %lt3A_154 : i32 to vector<16xi32>
      %lt3A_156 = arith.cmpi slt, %all_reduce_ffs3A_150, %lt3A_155 : vector<16xi32>
      %add3A = arith.constant 16 : i32
      %add3A_157 = vector.broadcast %add3A : i32 to vector<16xi32>
      %add3A_158 = arith.addi %all_reduce_ffs3A_150, %add3A_157 : vector<16xi32>
      %broadcast_in_dim3A_159 = arith.constant 0 : i32
      %broadcast_in_dim3A_160 = vector.broadcast %broadcast_in_dim3A_159 : i32 to vector<16xi32>
      %select_n3A = arith.select %lt3A_156, %add3A_158, %broadcast_in_dim3A_160 : vector<16xi1>, vector<16xi32>
      %select_n3A_161 = arith.select %lt3A_153, %all_reduce_ffs3A, %select_n3A : vector<16xi1>, vector<16xi32>
      %broadcast_in_dim3A_162 = arith.constant 0 : i32
      %broadcast_in_dim3A_163 = vector.broadcast %broadcast_in_dim3A_162 : i32 to vector<16xi32>
      %gather3A_164 = tpu.vector_load_idx %arg12[%broadcast_in_dim3A_163, %select_n3A_161] : memref<4x32xf32, #tpu.memory_space<vmem>>[vector<16xi32>, vector<16xi32>], vector<16xf32>,
      %select_n3A_165 = arith.select %broadcast_in_dim3A_129, %gather3A_134, %gather3A_164 : vector<16xi1>, vector<16xf32>
      %broadcast_in_dim3A_166 = arith.constant 1 : i32
      %broadcast_in_dim3A_167 = vector.broadcast %broadcast_in_dim3A_166 : i32 to vector<16xi32>
      %gather3A_168 = tpu.vector_load_idx %arg12[%broadcast_in_dim3A_167, %select_n3A_161] : memref<4x32xf32, #tpu.memory_space<vmem>>[vector<16xi32>, vector<16xi32>], vector<16xf32>,
      %select_n3A_169 = arith.select %broadcast_in_dim3A_129, %gather3A_139, %gather3A_168 : vector<16xi1>, vector<16xf32>
      %broadcast_in_dim3A_170 = arith.constant 2 : i32
      %broadcast_in_dim3A_171 = vector.broadcast %broadcast_in_dim3A_170 : i32 to vector<16xi32>
      %gather3A_172 = tpu.vector_load_idx %arg12[%broadcast_in_dim3A_171, %select_n3A_161] : memref<4x32xf32, #tpu.memory_space<vmem>>[vector<16xi32>, vector<16xi32>], vector<16xf32>,
      %select_n3A_173 = arith.select %broadcast_in_dim3A_129, %gather3A_144, %gather3A_172 : vector<16xi1>, vector<16xf32>
      %broadcast_in_dim3A_174 = arith.constant 3 : i32
      %broadcast_in_dim3A_175 = vector.broadcast %broadcast_in_dim3A_174 : i32 to vector<16xi32>
      %gather3A_176 = tpu.vector_load_idx %arg12[%broadcast_in_dim3A_175, %select_n3A_161] : memref<4x32xf32, #tpu.memory_space<vmem>>[vector<16xi32>, vector<16xi32>], vector<16xf32>,
      %select_n3A_177 = arith.select %broadcast_in_dim3A_129, %gather3A_149, %gather3A_176 : vector<16xi1>, vector<16xf32>
      %sub3A_178 = arith.subf %select_n3A_173, %select_n3A_165 : vector<16xf32>
      %sub3A_179 = arith.subf %select_n3A_177, %select_n3A_169 : vector<16xf32>
      %mul3A_180 = arith.mulf %sub3A_178, %sub3A_179 : vector<16xf32>
      %min3A = arith.minimumf %select_n3A_173, %gather3A_98 : vector<16xf32>
      %max3A = arith.maximumf %select_n3A_165, %gather3A : vector<16xf32>
      %sub3A_181 = arith.subf %min3A, %max3A : vector<16xf32>
      %max3A_182 = arith.constant 0.000000e+00 : f32
      %max3A_183 = vector.broadcast %max3A_182 : f32 to vector<16xf32>
      %max3A_184 = arith.maximumf %sub3A_181, %max3A_183 : vector<16xf32>
      %min3A_185 = arith.minimumf %select_n3A_177, %gather3A_110 : vector<16xf32>
      %max3A_186 = arith.maximumf %select_n3A_169, %gather3A_86 : vector<16xf32>
      %sub3A_187 = arith.subf %min3A_185, %max3A_186 : vector<16xf32>
      %max3A_188 = arith.constant 0.000000e+00 : f32
      %max3A_189 = vector.broadcast %max3A_188 : f32 to vector<16xf32>
      %max3A_190 = arith.maximumf %sub3A_187, %max3A_189 : vector<16xf32>
      %mul3A_191 = arith.mulf %max3A_184, %max3A_190 : vector<16xf32>
      %add3A_192 = arith.addf %mul3A_180, %mul3A : vector<16xf32>
      %sub3A_193 = arith.subf %add3A_192, %mul3A_191 : vector<16xf32>
      %div3A = arith.divf %mul3A_191, %sub3A_193 : vector<16xf32>
      %min3A_194 = arith.minimumf %select_n3A_173, %gather3A_99 : vector<16xf32>
      %max3A_195 = arith.maximumf %select_n3A_165, %gather3A_75 : vector<16xf32>
      %sub3A_196 = arith.subf %min3A_194, %max3A_195 : vector<16xf32>
      %max3A_197 = arith.constant 0.000000e+00 : f32
      %max3A_198 = vector.broadcast %max3A_197 : f32 to vector<16xf32>
      %max3A_199 = arith.maximumf %sub3A_196, %max3A_198 : vector<16xf32>
      %min3A_200 = arith.minimumf %select_n3A_177, %gather3A_111 : vector<16xf32>
      %max3A_201 = arith.maximumf %select_n3A_169, %gather3A_87 : vector<16xf32>
      %sub3A_202 = arith.subf %min3A_200, %max3A_201 : vector<16xf32>
      %max3A_203 = arith.constant 0.000000e+00 : f32
      %max3A_204 = vector.broadcast %max3A_203 : f32 to vector<16xf32>
      %max3A_205 = arith.maximumf %sub3A_202, %max3A_204 : vector<16xf32>
      %mul3A_206 = arith.mulf %max3A_199, %max3A_205 : vector<16xf32>
      %add3A_207 = arith.addf %mul3A_180, %mul3A_123 : vector<16xf32>
      %sub3A_208 = arith.subf %add3A_207, %mul3A_206 : vector<16xf32>
      %div3A_209 = arith.divf %mul3A_206, %sub3A_208 : vector<16xf32>
      %ge3A_210 = arith.constant 5.000000e-01 : f32
      %ge3A_211 = vector.broadcast %ge3A_210 : f32 to vector<16xf32>
      %ge3A_212 = arith.cmpf oge, %div3A, %ge3A_211 : vector<16xf32>
      %and3A = arith.andi %broadcast_in_dim3A_125, %ge3A_212 : vector<16xi1>
      %not3A = arith.constant dense<true> : vector<16xi1>
      %not3A_213 = arith.xori %broadcast_in_dim3A_129, %not3A : vector<16xi1>
      %and3A_214 = arith.andi %and3A, %not3A_213 : vector<16xi1>
      %ge3A_215 = arith.constant 5.000000e-01 : f32
      %ge3A_216 = vector.broadcast %ge3A_215 : f32 to vector<16xf32>
      %ge3A_217 = arith.cmpf oge, %div3A_209, %ge3A_216 : vector<16xf32>
      %and3A_218 = arith.andi %lt3A_127, %ge3A_217 : vector<16xi1>
      %not3A_219 = arith.constant dense<true> : vector<16xi1>
      %not3A_220 = arith.xori %broadcast_in_dim3A_129, %not3A_219 : vector<16xi1>
      %and3A_221 = arith.andi %and3A_218, %not3A_220 : vector<16xi1>
      %jit3A = arith.constant 3.000000e+38 : f32
      %broadcast_in_dim3A_222 = vector.broadcast %jit3A : f32 to vector<16xf32>
      %select_n3A_223 = arith.select %and3A_214, %gather3A, %broadcast_in_dim3A_222 : vector<16xi1>, vector<16xf32>
      %reduce_min3A = arith.constant true
      %reduce_min3A_224 = vector.broadcast %reduce_min3A : i1 to vector<16xi1>
      %reduce_min3A_225 = tpu.scan <min>, %select_n3A_223 masked %reduce_min3A_224 : vector<16xf32>, vector<16xi1> -> vector<16xf32>
      %reduce_min3A_226 = vector.extract %reduce_min3A_225[15] : f32 from vector<16xf32>
      %jit3A_227 = arith.constant 3.000000e+38 : f32
      %broadcast_in_dim3A_228 = vector.broadcast %jit3A_227 : f32 to vector<16xf32>
      %select_n3A_229 = arith.select %and3A_221, %gather3A_75, %broadcast_in_dim3A_228 : vector<16xi1>, vector<16xf32>
      %reduce_min3A_230 = arith.constant true
      %reduce_min3A_231 = vector.broadcast %reduce_min3A_230 : i1 to vector<16xi1>
      %reduce_min3A_232 = tpu.scan <min>, %select_n3A_229 masked %reduce_min3A_231 : vector<16xf32>, vector<16xi1> -> vector<16xf32>
      %reduce_min3A_233 = vector.extract %reduce_min3A_232[15] : f32 from vector<16xf32>
      %min3A_234 = arith.minimumf %reduce_min3A_226, %reduce_min3A_233 : f32
      %jit3A_235 = arith.constant 3.000000e+38 : f32
      %broadcast_in_dim3A_236 = vector.broadcast %jit3A_235 : f32 to vector<16xf32>
      %select_n3A_237 = arith.select %and3A_214, %gather3A_86, %broadcast_in_dim3A_236 : vector<16xi1>, vector<16xf32>
      %reduce_min3A_238 = arith.constant true
      %reduce_min3A_239 = vector.broadcast %reduce_min3A_238 : i1 to vector<16xi1>
      %reduce_min3A_240 = tpu.scan <min>, %select_n3A_237 masked %reduce_min3A_239 : vector<16xf32>, vector<16xi1> -> vector<16xf32>
      %reduce_min3A_241 = vector.extract %reduce_min3A_240[15] : f32 from vector<16xf32>
      %jit3A_242 = arith.constant 3.000000e+38 : f32
      %broadcast_in_dim3A_243 = vector.broadcast %jit3A_242 : f32 to vector<16xf32>
      %select_n3A_244 = arith.select %and3A_221, %gather3A_87, %broadcast_in_dim3A_243 : vector<16xi1>, vector<16xf32>
      %reduce_min3A_245 = arith.constant true
      %reduce_min3A_246 = vector.broadcast %reduce_min3A_245 : i1 to vector<16xi1>
      %reduce_min3A_247 = tpu.scan <min>, %select_n3A_244 masked %reduce_min3A_246 : vector<16xf32>, vector<16xi1> -> vector<16xf32>
      %reduce_min3A_248 = vector.extract %reduce_min3A_247[15] : f32 from vector<16xf32>
      %min3A_249 = arith.minimumf %reduce_min3A_241, %reduce_min3A_248 : f32
      %jit3A_250 = arith.constant -3.000000e+38 : f32
      %broadcast_in_dim3A_251 = vector.broadcast %jit3A_250 : f32 to vector<16xf32>
      %select_n3A_252 = arith.select %and3A_214, %gather3A_98, %broadcast_in_dim3A_251 : vector<16xi1>, vector<16xf32>
      %reduce_max3A = arith.constant true
      %reduce_max3A_253 = vector.broadcast %reduce_max3A : i1 to vector<16xi1>
      %reduce_max3A_254 = tpu.scan <max>, %select_n3A_252 masked %reduce_max3A_253 : vector<16xf32>, vector<16xi1> -> vector<16xf32>
      %reduce_max3A_255 = vector.extract %reduce_max3A_254[15] : f32 from vector<16xf32>
      %jit3A_256 = arith.constant -3.000000e+38 : f32
      %broadcast_in_dim3A_257 = vector.broadcast %jit3A_256 : f32 to vector<16xf32>
      %select_n3A_258 = arith.select %and3A_221, %gather3A_99, %broadcast_in_dim3A_257 : vector<16xi1>, vector<16xf32>
      %reduce_max3A_259 = arith.constant true
      %reduce_max3A_260 = vector.broadcast %reduce_max3A_259 : i1 to vector<16xi1>
      %reduce_max3A_261 = tpu.scan <max>, %select_n3A_258 masked %reduce_max3A_260 : vector<16xf32>, vector<16xi1> -> vector<16xf32>
      %reduce_max3A_262 = vector.extract %reduce_max3A_261[15] : f32 from vector<16xf32>
      %max3A_263 = arith.maximumf %reduce_max3A_255, %reduce_max3A_262 : f32
      %jit3A_264 = arith.constant -3.000000e+38 : f32
      %broadcast_in_dim3A_265 = vector.broadcast %jit3A_264 : f32 to vector<16xf32>
      %select_n3A_266 = arith.select %and3A_214, %gather3A_110, %broadcast_in_dim3A_265 : vector<16xi1>, vector<16xf32>
      %reduce_max3A_267 = arith.constant true
      %reduce_max3A_268 = vector.broadcast %reduce_max3A_267 : i1 to vector<16xi1>
      %reduce_max3A_269 = tpu.scan <max>, %select_n3A_266 masked %reduce_max3A_268 : vector<16xf32>, vector<16xi1> -> vector<16xf32>
      %reduce_max3A_270 = vector.extract %reduce_max3A_269[15] : f32 from vector<16xf32>
      %jit3A_271 = arith.constant -3.000000e+38 : f32
      %broadcast_in_dim3A_272 = vector.broadcast %jit3A_271 : f32 to vector<16xf32>
      %select_n3A_273 = arith.select %and3A_221, %gather3A_111, %broadcast_in_dim3A_272 : vector<16xi1>, vector<16xf32>
      %reduce_max3A_274 = arith.constant true
      %reduce_max3A_275 = vector.broadcast %reduce_max3A_274 : i1 to vector<16xi1>
      %reduce_max3A_276 = tpu.scan <max>, %select_n3A_273 masked %reduce_max3A_275 : vector<16xf32>, vector<16xi1> -> vector<16xf32>
      %reduce_max3A_277 = vector.extract %reduce_max3A_276[15] : f32 from vector<16xf32>
      %max3A_278 = arith.maximumf %reduce_max3A_270, %reduce_max3A_277 : f32
      %broadcast_in_dim3A_279 = vector.broadcast %min3A_234 : f32 to vector<16xf32>
      %select_n3A_280 = arith.select %broadcast_in_dim3A_129, %gather3A_134, %broadcast_in_dim3A_279 : vector<16xi1>, vector<16xf32>
      %broadcast_in_dim3A_281 = arith.constant 0 : i32
      %broadcast_in_dim3A_282 = vector.broadcast %broadcast_in_dim3A_281 : i32 to vector<16xi32>
      %broadcast_in_dim3A_283 = arith.constant 0 : i32
      %broadcast_in_dim3A_284 = vector.broadcast %broadcast_in_dim3A_283 : i32 to vector<16xi32>
      tpu.vector_store_idx %arg13[%broadcast_in_dim3A_282, %broadcast_in_dim3A_284], %select_n3A_280 masked %eq3A_3 : memref<8x4xf32, #tpu.memory_space<vmem>>[vector<16xi32>, vector<16xi32>], vector<16xf32>, vector<16xi1>
      %broadcast_in_dim3A_285 = vector.broadcast %min3A_249 : f32 to vector<16xf32>
      %select_n3A_286 = arith.select %broadcast_in_dim3A_129, %gather3A_139, %broadcast_in_dim3A_285 : vector<16xi1>, vector<16xf32>
      %broadcast_in_dim3A_287 = arith.constant 0 : i32
      %broadcast_in_dim3A_288 = vector.broadcast %broadcast_in_dim3A_287 : i32 to vector<16xi32>
      %broadcast_in_dim3A_289 = arith.constant 1 : i32
      %broadcast_in_dim3A_290 = vector.broadcast %broadcast_in_dim3A_289 : i32 to vector<16xi32>
      tpu.vector_store_idx %arg13[%broadcast_in_dim3A_288, %broadcast_in_dim3A_290], %select_n3A_286 masked %eq3A_3 : memref<8x4xf32, #tpu.memory_space<vmem>>[vector<16xi32>, vector<16xi32>], vector<16xf32>, vector<16xi1>
      %broadcast_in_dim3A_291 = vector.broadcast %max3A_263 : f32 to vector<16xf32>
      %select_n3A_292 = arith.select %broadcast_in_dim3A_129, %gather3A_144, %broadcast_in_dim3A_291 : vector<16xi1>, vector<16xf32>
      %broadcast_in_dim3A_293 = arith.constant 0 : i32
      %broadcast_in_dim3A_294 = vector.broadcast %broadcast_in_dim3A_293 : i32 to vector<16xi32>
      %broadcast_in_dim3A_295 = arith.constant 2 : i32
      %broadcast_in_dim3A_296 = vector.broadcast %broadcast_in_dim3A_295 : i32 to vector<16xi32>
      tpu.vector_store_idx %arg13[%broadcast_in_dim3A_294, %broadcast_in_dim3A_296], %select_n3A_292 masked %eq3A_3 : memref<8x4xf32, #tpu.memory_space<vmem>>[vector<16xi32>, vector<16xi32>], vector<16xf32>, vector<16xi1>
      %broadcast_in_dim3A_297 = vector.broadcast %max3A_278 : f32 to vector<16xf32>
      %select_n3A_298 = arith.select %broadcast_in_dim3A_129, %gather3A_149, %broadcast_in_dim3A_297 : vector<16xi1>, vector<16xf32>
      %broadcast_in_dim3A_299 = arith.constant 0 : i32
      %broadcast_in_dim3A_300 = vector.broadcast %broadcast_in_dim3A_299 : i32 to vector<16xi32>
      %broadcast_in_dim3A_301 = arith.constant 3 : i32
      %broadcast_in_dim3A_302 = vector.broadcast %broadcast_in_dim3A_301 : i32 to vector<16xi32>
      tpu.vector_store_idx %arg13[%broadcast_in_dim3A_300, %broadcast_in_dim3A_302], %select_n3A_298 masked %eq3A_3 : memref<8x4xf32, #tpu.memory_space<vmem>>[vector<16xi32>, vector<16xi32>], vector<16xf32>, vector<16xi1>
      %lt3A_303 = arith.constant 5.000000e-01 : f32
      %lt3A_304 = vector.broadcast %lt3A_303 : f32 to vector<16xf32>
      %lt3A_305 = arith.cmpf olt, %div3A, %lt3A_304 : vector<16xf32>
      %and3A_306 = arith.andi %broadcast_in_dim3A_125, %lt3A_305 : vector<16xi1>
      %lt3A_307 = arith.constant 5.000000e-01 : f32
      %lt3A_308 = vector.broadcast %lt3A_307 : f32 to vector<16xf32>
      %lt3A_309 = arith.cmpf olt, %div3A_209, %lt3A_308 : vector<16xf32>
      %and3A_310 = arith.andi %lt3A_127, %lt3A_309 : vector<16xi1>
      %reduce_or3A = arith.constant 1.000000e+00 : f32
      %reduce_or3A_311 = arith.constant 0.000000e+00 : f32
      %reduce_or3A_312 = vector.broadcast %reduce_or3A : f32 to vector<16xf32>
      %reduce_or3A_313 = vector.broadcast %reduce_or3A_311 : f32 to vector<16xf32>
      %reduce_or3A_314 = arith.select %and3A_306, %reduce_or3A_312, %reduce_or3A_313 : vector<16xi1>, vector<16xf32>
      %reduce_or3A_315 = arith.constant true
      %reduce_or3A_316 = vector.broadcast %reduce_or3A_315 : i1 to vector<16xi1>
      %reduce_or3A_317 = tpu.scan <max>, %reduce_or3A_314 masked %reduce_or3A_316 : vector<16xf32>, vector<16xi1> -> vector<16xf32>
      %reduce_or3A_318 = vector.extract %reduce_or3A_317[15] : f32 from vector<16xf32>
      %reduce_or3A_319 = arith.constant 0.000000e+00 : f32
      %reduce_or3A_320 = arith.cmpf ogt, %reduce_or3A_318, %reduce_or3A_319 : f32
      %reduce_or3A_321 = arith.constant 1.000000e+00 : f32
      %reduce_or3A_322 = arith.constant 0.000000e+00 : f32
      %reduce_or3A_323 = vector.broadcast %reduce_or3A_321 : f32 to vector<16xf32>
      %reduce_or3A_324 = vector.broadcast %reduce_or3A_322 : f32 to vector<16xf32>
      %reduce_or3A_325 = arith.select %and3A_310, %reduce_or3A_323, %reduce_or3A_324 : vector<16xi1>, vector<16xf32>
      %reduce_or3A_326 = arith.constant true
      %reduce_or3A_327 = vector.broadcast %reduce_or3A_326 : i1 to vector<16xi1>
      %reduce_or3A_328 = tpu.scan <max>, %reduce_or3A_325 masked %reduce_or3A_327 : vector<16xf32>, vector<16xi1> -> vector<16xf32>
      %reduce_or3A_329 = vector.extract %reduce_or3A_328[15] : f32 from vector<16xf32>
      %reduce_or3A_330 = arith.constant 0.000000e+00 : f32
      %reduce_or3A_331 = arith.cmpf ogt, %reduce_or3A_329, %reduce_or3A_330 : f32
      %or3A = arith.ori %reduce_or3A_320, %reduce_or3A_331 : i1
      %not3A_332 = arith.constant dense<true> : vector<16xi1>
      %not3A_333 = arith.xori %broadcast_in_dim3A_129, %not3A_332 : vector<16xi1>
      %broadcast_in_dim3A_334 = vector.broadcast %or3A : i1 to vector<16xi1>
      %not3A_335 = arith.constant dense<true> : vector<16xi1>
      %not3A_336 = arith.xori %broadcast_in_dim3A_334, %not3A_335 : vector<16xi1>
      %and3A_337 = arith.andi %not3A_333, %not3A_336 : vector<16xi1>
      %or3A_338 = arith.ori %broadcast_in_dim3A_129, %and3A_337 : vector<16xi1>
      %broadcast_in_dim3A_339 = arith.constant 0 : i32
      %broadcast_in_dim3A_340 = vector.broadcast %broadcast_in_dim3A_339 : i32 to vector<16xi32>
      %broadcast_in_dim3A_341 = arith.constant 24 : i32
      %broadcast_in_dim3A_342 = vector.broadcast %broadcast_in_dim3A_341 : i32 to vector<16xi32>
      %gather3A_343 = tpu.vector_load_idx %arg12[%broadcast_in_dim3A_340, %broadcast_in_dim3A_342] : memref<4x32xf32, #tpu.memory_space<vmem>>[vector<16xi32>, vector<16xi32>], vector<16xf32>,
      %select_n3A_344 = arith.select %or3A_338, %gather3A_343, %gather3A_134 : vector<16xi1>, vector<16xf32>
      %broadcast_in_dim3A_345 = arith.constant 1 : i32
      %broadcast_in_dim3A_346 = vector.broadcast %broadcast_in_dim3A_345 : i32 to vector<16xi32>
      %broadcast_in_dim3A_347 = arith.constant 24 : i32
      %broadcast_in_dim3A_348 = vector.broadcast %broadcast_in_dim3A_347 : i32 to vector<16xi32>
      %gather3A_349 = tpu.vector_load_idx %arg12[%broadcast_in_dim3A_346, %broadcast_in_dim3A_348] : memref<4x32xf32, #tpu.memory_space<vmem>>[vector<16xi32>, vector<16xi32>], vector<16xf32>,
      %select_n3A_350 = arith.select %or3A_338, %gather3A_349, %gather3A_139 : vector<16xi1>, vector<16xf32>
      %broadcast_in_dim3A_351 = arith.constant 2 : i32
      %broadcast_in_dim3A_352 = vector.broadcast %broadcast_in_dim3A_351 : i32 to vector<16xi32>
      %broadcast_in_dim3A_353 = arith.constant 24 : i32
      %broadcast_in_dim3A_354 = vector.broadcast %broadcast_in_dim3A_353 : i32 to vector<16xi32>
      %gather3A_355 = tpu.vector_load_idx %arg12[%broadcast_in_dim3A_352, %broadcast_in_dim3A_354] : memref<4x32xf32, #tpu.memory_space<vmem>>[vector<16xi32>, vector<16xi32>], vector<16xf32>,
      %select_n3A_356 = arith.select %or3A_338, %gather3A_355, %gather3A_144 : vector<16xi1>, vector<16xf32>
      %broadcast_in_dim3A_357 = arith.constant 3 : i32
      %broadcast_in_dim3A_358 = vector.broadcast %broadcast_in_dim3A_357 : i32 to vector<16xi32>
      %broadcast_in_dim3A_359 = arith.constant 24 : i32
      %broadcast_in_dim3A_360 = vector.broadcast %broadcast_in_dim3A_359 : i32 to vector<16xi32>
      %gather3A_361 = tpu.vector_load_idx %arg12[%broadcast_in_dim3A_358, %broadcast_in_dim3A_360] : memref<4x32xf32, #tpu.memory_space<vmem>>[vector<16xi32>, vector<16xi32>], vector<16xf32>,
      %select_n3A_362 = arith.select %or3A_338, %gather3A_361, %gather3A_149 : vector<16xi1>, vector<16xf32>
      %or3A_363 = arith.ori %broadcast_in_dim3A_129, %and3A_337 : vector<16xi1>
      %not3A_364 = arith.constant dense<true> : vector<16xi1>
      %not3A_365 = arith.xori %or3A_363, %not3A_364 : vector<16xi1>
      %and3A_366 = arith.andi %and3A_306, %not3A_365 : vector<16xi1>
      %not3A_367 = arith.constant dense<true> : vector<16xi1>
      %not3A_368 = arith.xori %or3A_363, %not3A_367 : vector<16xi1>
      %and3A_369 = arith.andi %and3A_310, %not3A_368 : vector<16xi1>
      %all_reduce_ffs3A_370 = tpu.all_reduce %and3A_366 {dim = 0 : i64, kind = #tpu.reduction_kind<find_first_set>} : vector<16xi1> -> vector<16xi32>
      %all_reduce_ffs3A_371 = tpu.all_reduce %and3A_369 {dim = 0 : i64, kind = #tpu.reduction_kind<find_first_set>} : vector<16xi1> -> vector<16xi32>
      %lt3A_372 = arith.constant 16 : i32
      %lt3A_373 = vector.broadcast %lt3A_372 : i32 to vector<16xi32>
      %lt3A_374 = arith.cmpi slt, %all_reduce_ffs3A_370, %lt3A_373 : vector<16xi32>
      %lt3A_375 = arith.constant 16 : i32
      %lt3A_376 = vector.broadcast %lt3A_375 : i32 to vector<16xi32>
      %lt3A_377 = arith.cmpi slt, %all_reduce_ffs3A_371, %lt3A_376 : vector<16xi32>
      %add3A_378 = arith.constant 16 : i32
      %add3A_379 = vector.broadcast %add3A_378 : i32 to vector<16xi32>
      %add3A_380 = arith.addi %all_reduce_ffs3A_371, %add3A_379 : vector<16xi32>
      %broadcast_in_dim3A_381 = arith.constant 0 : i32
      %broadcast_in_dim3A_382 = vector.broadcast %broadcast_in_dim3A_381 : i32 to vector<16xi32>
      %select_n3A_383 = arith.select %lt3A_377, %add3A_380, %broadcast_in_dim3A_382 : vector<16xi1>, vector<16xi32>
      %select_n3A_384 = arith.select %lt3A_374, %all_reduce_ffs3A_370, %select_n3A_383 : vector<16xi1>, vector<16xi32>
      %broadcast_in_dim3A_385 = arith.constant 0 : i32
      %broadcast_in_dim3A_386 = vector.broadcast %broadcast_in_dim3A_385 : i32 to vector<16xi32>
      %gather3A_387 = tpu.vector_load_idx %arg12[%broadcast_in_dim3A_386, %select_n3A_384] : memref<4x32xf32, #tpu.memory_space<vmem>>[vector<16xi32>, vector<16xi32>], vector<16xf32>,
      %select_n3A_388 = arith.select %or3A_363, %select_n3A_344, %gather3A_387 : vector<16xi1>, vector<16xf32>
      %broadcast_in_dim3A_389 = arith.constant 1 : i32
      %broadcast_in_dim3A_390 = vector.broadcast %broadcast_in_dim3A_389 : i32 to vector<16xi32>
      %gather3A_391 = tpu.vector_load_idx %arg12[%broadcast_in_dim3A_390, %select_n3A_384] : memref<4x32xf32, #tpu.memory_space<vmem>>[vector<16xi32>, vector<16xi32>], vector<16xf32>,
      %select_n3A_392 = arith.select %or3A_363, %select_n3A_350, %gather3A_391 : vector<16xi1>, vector<16xf32>
      %broadcast_in_dim3A_393 = arith.constant 2 : i32
      %broadcast_in_dim3A_394 = vector.broadcast %broadcast_in_dim3A_393 : i32 to vector<16xi32>
      %gather3A_395 = tpu.vector_load_idx %arg12[%broadcast_in_dim3A_394, %select_n3A_384] : memref<4x32xf32, #tpu.memory_space<vmem>>[vector<16xi32>, vector<16xi32>], vector<16xf32>,
      %select_n3A_396 = arith.select %or3A_363, %select_n3A_356, %gather3A_395 : vector<16xi1>, vector<16xf32>
      %broadcast_in_dim3A_397 = arith.constant 3 : i32
      %broadcast_in_dim3A_398 = vector.broadcast %broadcast_in_dim3A_397 : i32 to vector<16xi32>
      %gather3A_399 = tpu.vector_load_idx %arg12[%broadcast_in_dim3A_398, %select_n3A_384] : memref<4x32xf32, #tpu.memory_space<vmem>>[vector<16xi32>, vector<16xi32>], vector<16xf32>,
      %select_n3A_400 = arith.select %or3A_363, %select_n3A_362, %gather3A_399 : vector<16xi1>, vector<16xf32>
      %sub3A_401 = arith.subf %select_n3A_396, %select_n3A_388 : vector<16xf32>
      %sub3A_402 = arith.subf %select_n3A_400, %select_n3A_392 : vector<16xf32>
      %mul3A_403 = arith.mulf %sub3A_401, %sub3A_402 : vector<16xf32>
      %min3A_404 = arith.minimumf %select_n3A_396, %gather3A_98 : vector<16xf32>
      %max3A_405 = arith.maximumf %select_n3A_388, %gather3A : vector<16xf32>
      %sub3A_406 = arith.subf %min3A_404, %max3A_405 : vector<16xf32>
      %max3A_407 = arith.constant 0.000000e+00 : f32
      %max3A_408 = vector.broadcast %max3A_407 : f32 to vector<16xf32>
      %max3A_409 = arith.maximumf %sub3A_406, %max3A_408 : vector<16xf32>
      %min3A_410 = arith.minimumf %select_n3A_400, %gather3A_110 : vector<16xf32>
      %max3A_411 = arith.maximumf %select_n3A_392, %gather3A_86 : vector<16xf32>
      %sub3A_412 = arith.subf %min3A_410, %max3A_411 : vector<16xf32>
      %max3A_413 = arith.constant 0.000000e+00 : f32
      %max3A_414 = vector.broadcast %max3A_413 : f32 to vector<16xf32>
      %max3A_415 = arith.maximumf %sub3A_412, %max3A_414 : vector<16xf32>
      %mul3A_416 = arith.mulf %max3A_409, %max3A_415 : vector<16xf32>
      %add3A_417 = arith.addf %mul3A_403, %mul3A : vector<16xf32>
      %sub3A_418 = arith.subf %add3A_417, %mul3A_416 : vector<16xf32>
      %div3A_419 = arith.divf %mul3A_416, %sub3A_418 : vector<16xf32>
      %min3A_420 = arith.minimumf %select_n3A_396, %gather3A_99 : vector<16xf32>
      %max3A_421 = arith.maximumf %select_n3A_388, %gather3A_75 : vector<16xf32>
      %sub3A_422 = arith.subf %min3A_420, %max3A_421 : vector<16xf32>
      %max3A_423 = arith.constant 0.000000e+00 : f32
      %max3A_424 = vector.broadcast %max3A_423 : f32 to vector<16xf32>
      %max3A_425 = arith.maximumf %sub3A_422, %max3A_424 : vector<16xf32>
      %min3A_426 = arith.minimumf %select_n3A_400, %gather3A_111 : vector<16xf32>
      %max3A_427 = arith.maximumf %select_n3A_392, %gather3A_87 : vector<16xf32>
      %sub3A_428 = arith.subf %min3A_426, %max3A_427 : vector<16xf32>
      %max3A_429 = arith.constant 0.000000e+00 : f32
      %max3A_430 = vector.broadcast %max3A_429 : f32 to vector<16xf32>
      %max3A_431 = arith.maximumf %sub3A_428, %max3A_430 : vector<16xf32>
      %mul3A_432 = arith.mulf %max3A_425, %max3A_431 : vector<16xf32>
      %add3A_433 = arith.addf %mul3A_403, %mul3A_123 : vector<16xf32>
      %sub3A_434 = arith.subf %add3A_433, %mul3A_432 : vector<16xf32>
      %div3A_435 = arith.divf %mul3A_432, %sub3A_434 : vector<16xf32>
      %ge3A_436 = arith.constant 5.000000e-01 : f32
      %ge3A_437 = vector.broadcast %ge3A_436 : f32 to vector<16xf32>
      %ge3A_438 = arith.cmpf oge, %div3A_419, %ge3A_437 : vector<16xf32>
      %and3A_439 = arith.andi %and3A_366, %ge3A_438 : vector<16xi1>
      %not3A_440 = arith.constant dense<true> : vector<16xi1>
      %not3A_441 = arith.xori %or3A_363, %not3A_440 : vector<16xi1>
      %and3A_442 = arith.andi %and3A_439, %not3A_441 : vector<16xi1>
      %ge3A_443 = arith.constant 5.000000e-01 : f32
      %ge3A_444 = vector.broadcast %ge3A_443 : f32 to vector<16xf32>
      %ge3A_445 = arith.cmpf oge, %div3A_435, %ge3A_444 : vector<16xf32>
      %and3A_446 = arith.andi %and3A_369, %ge3A_445 : vector<16xi1>
      %not3A_447 = arith.constant dense<true> : vector<16xi1>
      %not3A_448 = arith.xori %or3A_363, %not3A_447 : vector<16xi1>
      %and3A_449 = arith.andi %and3A_446, %not3A_448 : vector<16xi1>
      %jit3A_450 = arith.constant 3.000000e+38 : f32
      %broadcast_in_dim3A_451 = vector.broadcast %jit3A_450 : f32 to vector<16xf32>
      %select_n3A_452 = arith.select %and3A_442, %gather3A, %broadcast_in_dim3A_451 : vector<16xi1>, vector<16xf32>
      %reduce_min3A_453 = arith.constant true
      %reduce_min3A_454 = vector.broadcast %reduce_min3A_453 : i1 to vector<16xi1>
      %reduce_min3A_455 = tpu.scan <min>, %select_n3A_452 masked %reduce_min3A_454 : vector<16xf32>, vector<16xi1> -> vector<16xf32>
      %reduce_min3A_456 = vector.extract %reduce_min3A_455[15] : f32 from vector<16xf32>
      %jit3A_457 = arith.constant 3.000000e+38 : f32
      %broadcast_in_dim3A_458 = vector.broadcast %jit3A_457 : f32 to vector<16xf32>
      %select_n3A_459 = arith.select %and3A_449, %gather3A_75, %broadcast_in_dim3A_458 : vector<16xi1>, vector<16xf32>
      %reduce_min3A_460 = arith.constant true
      %reduce_min3A_461 = vector.broadcast %reduce_min3A_460 : i1 to vector<16xi1>
      %reduce_min3A_462 = tpu.scan <min>, %select_n3A_459 masked %reduce_min3A_461 : vector<16xf32>, vector<16xi1> -> vector<16xf32>
      %reduce_min3A_463 = vector.extract %reduce_min3A_462[15] : f32 from vector<16xf32>
      %min3A_464 = arith.minimumf %reduce_min3A_456, %reduce_min3A_463 : f32
      %jit3A_465 = arith.constant 3.000000e+38 : f32
      %broadcast_in_dim3A_466 = vector.broadcast %jit3A_465 : f32 to vector<16xf32>
      %select_n3A_467 = arith.select %and3A_442, %gather3A_86, %broadcast_in_dim3A_466 : vector<16xi1>, vector<16xf32>
      %reduce_min3A_468 = arith.constant true
      %reduce_min3A_469 = vector.broadcast %reduce_min3A_468 : i1 to vector<16xi1>
      %reduce_min3A_470 = tpu.scan <min>, %select_n3A_467 masked %reduce_min3A_469 : vector<16xf32>, vector<16xi1> -> vector<16xf32>
      %reduce_min3A_471 = vector.extract %reduce_min3A_470[15] : f32 from vector<16xf32>
      %jit3A_472 = arith.constant 3.000000e+38 : f32
      %broadcast_in_dim3A_473 = vector.broadcast %jit3A_472 : f32 to vector<16xf32>
      %select_n3A_474 = arith.select %and3A_449, %gather3A_87, %broadcast_in_dim3A_473 : vector<16xi1>, vector<16xf32>
      %reduce_min3A_475 = arith.constant true
      %reduce_min3A_476 = vector.broadcast %reduce_min3A_475 : i1 to vector<16xi1>
      %reduce_min3A_477 = tpu.scan <min>, %select_n3A_474 masked %reduce_min3A_476 : vector<16xf32>, vector<16xi1> -> vector<16xf32>
      %reduce_min3A_478 = vector.extract %reduce_min3A_477[15] : f32 from vector<16xf32>
      %min3A_479 = arith.minimumf %reduce_min3A_471, %reduce_min3A_478 : f32
      %jit3A_480 = arith.constant -3.000000e+38 : f32
      %broadcast_in_dim3A_481 = vector.broadcast %jit3A_480 : f32 to vector<16xf32>
      %select_n3A_482 = arith.select %and3A_442, %gather3A_98, %broadcast_in_dim3A_481 : vector<16xi1>, vector<16xf32>
      %reduce_max3A_483 = arith.constant true
      %reduce_max3A_484 = vector.broadcast %reduce_max3A_483 : i1 to vector<16xi1>
      %reduce_max3A_485 = tpu.scan <max>, %select_n3A_482 masked %reduce_max3A_484 : vector<16xf32>, vector<16xi1> -> vector<16xf32>
      %reduce_max3A_486 = vector.extract %reduce_max3A_485[15] : f32 from vector<16xf32>
      %jit3A_487 = arith.constant -3.000000e+38 : f32
      %broadcast_in_dim3A_488 = vector.broadcast %jit3A_487 : f32 to vector<16xf32>
      %select_n3A_489 = arith.select %and3A_449, %gather3A_99, %broadcast_in_dim3A_488 : vector<16xi1>, vector<16xf32>
      %reduce_max3A_490 = arith.constant true
      %reduce_max3A_491 = vector.broadcast %reduce_max3A_490 : i1 to vector<16xi1>
      %reduce_max3A_492 = tpu.scan <max>, %select_n3A_489 masked %reduce_max3A_491 : vector<16xf32>, vector<16xi1> -> vector<16xf32>
      %reduce_max3A_493 = vector.extract %reduce_max3A_492[15] : f32 from vector<16xf32>
      %max3A_494 = arith.maximumf %reduce_max3A_486, %reduce_max3A_493 : f32
      %jit3A_495 = arith.constant -3.000000e+38 : f32
      %broadcast_in_dim3A_496 = vector.broadcast %jit3A_495 : f32 to vector<16xf32>
      %select_n3A_497 = arith.select %and3A_442, %gather3A_110, %broadcast_in_dim3A_496 : vector<16xi1>, vector<16xf32>
      %reduce_max3A_498 = arith.constant true
      %reduce_max3A_499 = vector.broadcast %reduce_max3A_498 : i1 to vector<16xi1>
      %reduce_max3A_500 = tpu.scan <max>, %select_n3A_497 masked %reduce_max3A_499 : vector<16xf32>, vector<16xi1> -> vector<16xf32>
      %reduce_max3A_501 = vector.extract %reduce_max3A_500[15] : f32 from vector<16xf32>
      %jit3A_502 = arith.constant -3.000000e+38 : f32
      %broadcast_in_dim3A_503 = vector.broadcast %jit3A_502 : f32 to vector<16xf32>
      %select_n3A_504 = arith.select %and3A_449, %gather3A_111, %broadcast_in_dim3A_503 : vector<16xi1>, vector<16xf32>
      %reduce_max3A_505 = arith.constant true
      %reduce_max3A_506 = vector.broadcast %reduce_max3A_505 : i1 to vector<16xi1>
      %reduce_max3A_507 = tpu.scan <max>, %select_n3A_504 masked %reduce_max3A_506 : vector<16xf32>, vector<16xi1> -> vector<16xf32>
      %reduce_max3A_508 = vector.extract %reduce_max3A_507[15] : f32 from vector<16xf32>
      %max3A_509 = arith.maximumf %reduce_max3A_501, %reduce_max3A_508 : f32
      %broadcast_in_dim3A_510 = vector.broadcast %min3A_464 : f32 to vector<16xf32>
      %select_n3A_511 = arith.select %or3A_363, %select_n3A_344, %broadcast_in_dim3A_510 : vector<16xi1>, vector<16xf32>
      %broadcast_in_dim3A_512 = arith.constant 1 : i32
      %broadcast_in_dim3A_513 = vector.broadcast %broadcast_in_dim3A_512 : i32 to vector<16xi32>
      %broadcast_in_dim3A_514 = arith.constant 0 : i32
      %broadcast_in_dim3A_515 = vector.broadcast %broadcast_in_dim3A_514 : i32 to vector<16xi32>
      tpu.vector_store_idx %arg13[%broadcast_in_dim3A_513, %broadcast_in_dim3A_515], %select_n3A_511 masked %eq3A_3 : memref<8x4xf32, #tpu.memory_space<vmem>>[vector<16xi32>, vector<16xi32>], vector<16xf32>, vector<16xi1>
      %broadcast_in_dim3A_516 = vector.broadcast %min3A_479 : f32 to vector<16xf32>
      %select_n3A_517 = arith.select %or3A_363, %select_n3A_350, %broadcast_in_dim3A_516 : vector<16xi1>, vector<16xf32>
      %broadcast_in_dim3A_518 = arith.constant 1 : i32
      %broadcast_in_dim3A_519 = vector.broadcast %broadcast_in_dim3A_518 : i32 to vector<16xi32>
      %broadcast_in_dim3A_520 = arith.constant 1 : i32
      %broadcast_in_dim3A_521 = vector.broadcast %broadcast_in_dim3A_520 : i32 to vector<16xi32>
      tpu.vector_store_idx %arg13[%broadcast_in_dim3A_519, %broadcast_in_dim3A_521], %select_n3A_517 masked %eq3A_3 : memref<8x4xf32, #tpu.memory_space<vmem>>[vector<16xi32>, vector<16xi32>], vector<16xf32>, vector<16xi1>
      %broadcast_in_dim3A_522 = vector.broadcast %max3A_494 : f32 to vector<16xf32>
      %select_n3A_523 = arith.select %or3A_363, %select_n3A_356, %broadcast_in_dim3A_522 : vector<16xi1>, vector<16xf32>
      %broadcast_in_dim3A_524 = arith.constant 1 : i32
      %broadcast_in_dim3A_525 = vector.broadcast %broadcast_in_dim3A_524 : i32 to vector<16xi32>
      %broadcast_in_dim3A_526 = arith.constant 2 : i32
      %broadcast_in_dim3A_527 = vector.broadcast %broadcast_in_dim3A_526 : i32 to vector<16xi32>
      tpu.vector_store_idx %arg13[%broadcast_in_dim3A_525, %broadcast_in_dim3A_527], %select_n3A_523 masked %eq3A_3 : memref<8x4xf32, #tpu.memory_space<vmem>>[vector<16xi32>, vector<16xi32>], vector<16xf32>, vector<16xi1>
      %broadcast_in_dim3A_528 = vector.broadcast %max3A_509 : f32 to vector<16xf32>
      %select_n3A_529 = arith.select %or3A_363, %select_n3A_362, %broadcast_in_dim3A_528 : vector<16xi1>, vector<16xf32>
      %broadcast_in_dim3A_530 = arith.constant 1 : i32
      %broadcast_in_dim3A_531 = vector.broadcast %broadcast_in_dim3A_530 : i32 to vector<16xi32>
      %broadcast_in_dim3A_532 = arith.constant 3 : i32
      %broadcast_in_dim3A_533 = vector.broadcast %broadcast_in_dim3A_532 : i32 to vector<16xi32>
      tpu.vector_store_idx %arg13[%broadcast_in_dim3A_531, %broadcast_in_dim3A_533], %select_n3A_529 masked %eq3A_3 : memref<8x4xf32, #tpu.memory_space<vmem>>[vector<16xi32>, vector<16xi32>], vector<16xf32>, vector<16xi1>
      %lt3A_534 = arith.constant 5.000000e-01 : f32
      %lt3A_535 = vector.broadcast %lt3A_534 : f32 to vector<16xf32>
      %lt3A_536 = arith.cmpf olt, %div3A_419, %lt3A_535 : vector<16xf32>
      %and3A_537 = arith.andi %and3A_366, %lt3A_536 : vector<16xi1>
      %lt3A_538 = arith.constant 5.000000e-01 : f32
      %lt3A_539 = vector.broadcast %lt3A_538 : f32 to vector<16xf32>
      %lt3A_540 = arith.cmpf olt, %div3A_435, %lt3A_539 : vector<16xf32>
      %and3A_541 = arith.andi %and3A_369, %lt3A_540 : vector<16xi1>
      %reduce_or3A_542 = arith.constant 1.000000e+00 : f32
      %reduce_or3A_543 = arith.constant 0.000000e+00 : f32
      %reduce_or3A_544 = vector.broadcast %reduce_or3A_542 : f32 to vector<16xf32>
      %reduce_or3A_545 = vector.broadcast %reduce_or3A_543 : f32 to vector<16xf32>
      %reduce_or3A_546 = arith.select %and3A_537, %reduce_or3A_544, %reduce_or3A_545 : vector<16xi1>, vector<16xf32>
      %reduce_or3A_547 = arith.constant true
      %reduce_or3A_548 = vector.broadcast %reduce_or3A_547 : i1 to vector<16xi1>
      %reduce_or3A_549 = tpu.scan <max>, %reduce_or3A_546 masked %reduce_or3A_548 : vector<16xf32>, vector<16xi1> -> vector<16xf32>
      %reduce_or3A_550 = vector.extract %reduce_or3A_549[15] : f32 from vector<16xf32>
      %reduce_or3A_551 = arith.constant 0.000000e+00 : f32
      %reduce_or3A_552 = arith.cmpf ogt, %reduce_or3A_550, %reduce_or3A_551 : f32
      %reduce_or3A_553 = arith.constant 1.000000e+00 : f32
      %reduce_or3A_554 = arith.constant 0.000000e+00 : f32
      %reduce_or3A_555 = vector.broadcast %reduce_or3A_553 : f32 to vector<16xf32>
      %reduce_or3A_556 = vector.broadcast %reduce_or3A_554 : f32 to vector<16xf32>
      %reduce_or3A_557 = arith.select %and3A_541, %reduce_or3A_555, %reduce_or3A_556 : vector<16xi1>, vector<16xf32>
      %reduce_or3A_558 = arith.constant true
      %reduce_or3A_559 = vector.broadcast %reduce_or3A_558 : i1 to vector<16xi1>
      %reduce_or3A_560 = tpu.scan <max>, %reduce_or3A_557 masked %reduce_or3A_559 : vector<16xf32>, vector<16xi1> -> vector<16xf32>
      %reduce_or3A_561 = vector.extract %reduce_or3A_560[15] : f32 from vector<16xf32>
      %reduce_or3A_562 = arith.constant 0.000000e+00 : f32
      %reduce_or3A_563 = arith.cmpf ogt, %reduce_or3A_561, %reduce_or3A_562 : f32
      %or3A_564 = arith.ori %reduce_or3A_552, %reduce_or3A_563 : i1
      %not3A_565 = arith.constant dense<true> : vector<16xi1>
      %not3A_566 = arith.xori %or3A_363, %not3A_565 : vector<16xi1>
      %broadcast_in_dim3A_567 = vector.broadcast %or3A_564 : i1 to vector<16xi1>
      %not3A_568 = arith.constant dense<true> : vector<16xi1>
      %not3A_569 = arith.xori %broadcast_in_dim3A_567, %not3A_568 : vector<16xi1>
      %and3A_570 = arith.andi %not3A_566, %not3A_569 : vector<16xi1>
      %or3A_571 = arith.ori %or3A_363, %and3A_570 : vector<16xi1>
      %broadcast_in_dim3A_572 = arith.constant 0 : i32
      %broadcast_in_dim3A_573 = vector.broadcast %broadcast_in_dim3A_572 : i32 to vector<16xi32>
      %broadcast_in_dim3A_574 = arith.constant 25 : i32
      %broadcast_in_dim3A_575 = vector.broadcast %broadcast_in_dim3A_574 : i32 to vector<16xi32>
      %gather3A_576 = tpu.vector_load_idx %arg12[%broadcast_in_dim3A_573, %broadcast_in_dim3A_575] : memref<4x32xf32, #tpu.memory_space<vmem>>[vector<16xi32>, vector<16xi32>], vector<16xf32>,
      %select_n3A_577 = arith.select %or3A_571, %gather3A_576, %select_n3A_344 : vector<16xi1>, vector<16xf32>
      %broadcast_in_dim3A_578 = arith.constant 1 : i32
      %broadcast_in_dim3A_579 = vector.broadcast %broadcast_in_dim3A_578 : i32 to vector<16xi32>
      %broadcast_in_dim3A_580 = arith.constant 25 : i32
      %broadcast_in_dim3A_581 = vector.broadcast %broadcast_in_dim3A_580 : i32 to vector<16xi32>
      %gather3A_582 = tpu.vector_load_idx %arg12[%broadcast_in_dim3A_579, %broadcast_in_dim3A_581] : memref<4x32xf32, #tpu.memory_space<vmem>>[vector<16xi32>, vector<16xi32>], vector<16xf32>,
      %select_n3A_583 = arith.select %or3A_571, %gather3A_582, %select_n3A_350 : vector<16xi1>, vector<16xf32>
      %broadcast_in_dim3A_584 = arith.constant 2 : i32
      %broadcast_in_dim3A_585 = vector.broadcast %broadcast_in_dim3A_584 : i32 to vector<16xi32>
      %broadcast_in_dim3A_586 = arith.constant 25 : i32
      %broadcast_in_dim3A_587 = vector.broadcast %broadcast_in_dim3A_586 : i32 to vector<16xi32>
      %gather3A_588 = tpu.vector_load_idx %arg12[%broadcast_in_dim3A_585, %broadcast_in_dim3A_587] : memref<4x32xf32, #tpu.memory_space<vmem>>[vector<16xi32>, vector<16xi32>], vector<16xf32>,
      %select_n3A_589 = arith.select %or3A_571, %gather3A_588, %select_n3A_356 : vector<16xi1>, vector<16xf32>
      %broadcast_in_dim3A_590 = arith.constant 3 : i32
      %broadcast_in_dim3A_591 = vector.broadcast %broadcast_in_dim3A_590 : i32 to vector<16xi32>
      %broadcast_in_dim3A_592 = arith.constant 25 : i32
      %broadcast_in_dim3A_593 = vector.broadcast %broadcast_in_dim3A_592 : i32 to vector<16xi32>
      %gather3A_594 = tpu.vector_load_idx %arg12[%broadcast_in_dim3A_591, %broadcast_in_dim3A_593] : memref<4x32xf32, #tpu.memory_space<vmem>>[vector<16xi32>, vector<16xi32>], vector<16xf32>,
      %select_n3A_595 = arith.select %or3A_571, %gather3A_594, %select_n3A_362 : vector<16xi1>, vector<16xf32>
      %or3A_596 = arith.ori %or3A_363, %and3A_570 : vector<16xi1>
      %not3A_597 = arith.constant dense<true> : vector<16xi1>
      %not3A_598 = arith.xori %or3A_596, %not3A_597 : vector<16xi1>
      %and3A_599 = arith.andi %and3A_537, %not3A_598 : vector<16xi1>
      %not3A_600 = arith.constant dense<true> : vector<16xi1>
      %not3A_601 = arith.xori %or3A_596, %not3A_600 : vector<16xi1>
      %and3A_602 = arith.andi %and3A_541, %not3A_601 : vector<16xi1>
      %all_reduce_ffs3A_603 = tpu.all_reduce %and3A_599 {dim = 0 : i64, kind = #tpu.reduction_kind<find_first_set>} : vector<16xi1> -> vector<16xi32>
      %all_reduce_ffs3A_604 = tpu.all_reduce %and3A_602 {dim = 0 : i64, kind = #tpu.reduction_kind<find_first_set>} : vector<16xi1> -> vector<16xi32>
      %lt3A_605 = arith.constant 16 : i32
      %lt3A_606 = vector.broadcast %lt3A_605 : i32 to vector<16xi32>
      %lt3A_607 = arith.cmpi slt, %all_reduce_ffs3A_603, %lt3A_606 : vector<16xi32>
      %lt3A_608 = arith.constant 16 : i32
      %lt3A_609 = vector.broadcast %lt3A_608 : i32 to vector<16xi32>
      %lt3A_610 = arith.cmpi slt, %all_reduce_ffs3A_604, %lt3A_609 : vector<16xi32>
      %add3A_611 = arith.constant 16 : i32
      %add3A_612 = vector.broadcast %add3A_611 : i32 to vector<16xi32>
      %add3A_613 = arith.addi %all_reduce_ffs3A_604, %add3A_612 : vector<16xi32>
      %broadcast_in_dim3A_614 = arith.constant 0 : i32
      %broadcast_in_dim3A_615 = vector.broadcast %broadcast_in_dim3A_614 : i32 to vector<16xi32>
      %select_n3A_616 = arith.select %lt3A_610, %add3A_613, %broadcast_in_dim3A_615 : vector<16xi1>, vector<16xi32>
      %select_n3A_617 = arith.select %lt3A_607, %all_reduce_ffs3A_603, %select_n3A_616 : vector<16xi1>, vector<16xi32>
      %broadcast_in_dim3A_618 = arith.constant 0 : i32
      %broadcast_in_dim3A_619 = vector.broadcast %broadcast_in_dim3A_618 : i32 to vector<16xi32>
      %gather3A_620 = tpu.vector_load_idx %arg12[%broadcast_in_dim3A_619, %select_n3A_617] : memref<4x32xf32, #tpu.memory_space<vmem>>[vector<16xi32>, vector<16xi32>], vector<16xf32>,
      %select_n3A_621 = arith.select %or3A_596, %select_n3A_577, %gather3A_620 : vector<16xi1>, vector<16xf32>
      %broadcast_in_dim3A_622 = arith.constant 1 : i32
      %broadcast_in_dim3A_623 = vector.broadcast %broadcast_in_dim3A_622 : i32 to vector<16xi32>
      %gather3A_624 = tpu.vector_load_idx %arg12[%broadcast_in_dim3A_623, %select_n3A_617] : memref<4x32xf32, #tpu.memory_space<vmem>>[vector<16xi32>, vector<16xi32>], vector<16xf32>,
      %select_n3A_625 = arith.select %or3A_596, %select_n3A_583, %gather3A_624 : vector<16xi1>, vector<16xf32>
      %broadcast_in_dim3A_626 = arith.constant 2 : i32
      %broadcast_in_dim3A_627 = vector.broadcast %broadcast_in_dim3A_626 : i32 to vector<16xi32>
      %gather3A_628 = tpu.vector_load_idx %arg12[%broadcast_in_dim3A_627, %select_n3A_617] : memref<4x32xf32, #tpu.memory_space<vmem>>[vector<16xi32>, vector<16xi32>], vector<16xf32>,
      %select_n3A_629 = arith.select %or3A_596, %select_n3A_589, %gather3A_628 : vector<16xi1>, vector<16xf32>
      %broadcast_in_dim3A_630 = arith.constant 3 : i32
      %broadcast_in_dim3A_631 = vector.broadcast %broadcast_in_dim3A_630 : i32 to vector<16xi32>
      %gather3A_632 = tpu.vector_load_idx %arg12[%broadcast_in_dim3A_631, %select_n3A_617] : memref<4x32xf32, #tpu.memory_space<vmem>>[vector<16xi32>, vector<16xi32>], vector<16xf32>,
      %select_n3A_633 = arith.select %or3A_596, %select_n3A_595, %gather3A_632 : vector<16xi1>, vector<16xf32>
      %sub3A_634 = arith.subf %select_n3A_629, %select_n3A_621 : vector<16xf32>
      %sub3A_635 = arith.subf %select_n3A_633, %select_n3A_625 : vector<16xf32>
      %mul3A_636 = arith.mulf %sub3A_634, %sub3A_635 : vector<16xf32>
      %min3A_637 = arith.minimumf %select_n3A_629, %gather3A_98 : vector<16xf32>
      %max3A_638 = arith.maximumf %select_n3A_621, %gather3A : vector<16xf32>
      %sub3A_639 = arith.subf %min3A_637, %max3A_638 : vector<16xf32>
      %max3A_640 = arith.constant 0.000000e+00 : f32
      %max3A_641 = vector.broadcast %max3A_640 : f32 to vector<16xf32>
      %max3A_642 = arith.maximumf %sub3A_639, %max3A_641 : vector<16xf32>
      %min3A_643 = arith.minimumf %select_n3A_633, %gather3A_110 : vector<16xf32>
      %max3A_644 = arith.maximumf %select_n3A_625, %gather3A_86 : vector<16xf32>
      %sub3A_645 = arith.subf %min3A_643, %max3A_644 : vector<16xf32>
      %max3A_646 = arith.constant 0.000000e+00 : f32
      %max3A_647 = vector.broadcast %max3A_646 : f32 to vector<16xf32>
      %max3A_648 = arith.maximumf %sub3A_645, %max3A_647 : vector<16xf32>
      %mul3A_649 = arith.mulf %max3A_642, %max3A_648 : vector<16xf32>
      %add3A_650 = arith.addf %mul3A_636, %mul3A : vector<16xf32>
      %sub3A_651 = arith.subf %add3A_650, %mul3A_649 : vector<16xf32>
      %div3A_652 = arith.divf %mul3A_649, %sub3A_651 : vector<16xf32>
      %min3A_653 = arith.minimumf %select_n3A_629, %gather3A_99 : vector<16xf32>
      %max3A_654 = arith.maximumf %select_n3A_621, %gather3A_75 : vector<16xf32>
      %sub3A_655 = arith.subf %min3A_653, %max3A_654 : vector<16xf32>
      %max3A_656 = arith.constant 0.000000e+00 : f32
      %max3A_657 = vector.broadcast %max3A_656 : f32 to vector<16xf32>
      %max3A_658 = arith.maximumf %sub3A_655, %max3A_657 : vector<16xf32>
      %min3A_659 = arith.minimumf %select_n3A_633, %gather3A_111 : vector<16xf32>
      %max3A_660 = arith.maximumf %select_n3A_625, %gather3A_87 : vector<16xf32>
      %sub3A_661 = arith.subf %min3A_659, %max3A_660 : vector<16xf32>
      %max3A_662 = arith.constant 0.000000e+00 : f32
      %max3A_663 = vector.broadcast %max3A_662 : f32 to vector<16xf32>
      %max3A_664 = arith.maximumf %sub3A_661, %max3A_663 : vector<16xf32>
      %mul3A_665 = arith.mulf %max3A_658, %max3A_664 : vector<16xf32>
      %add3A_666 = arith.addf %mul3A_636, %mul3A_123 : vector<16xf32>
      %sub3A_667 = arith.subf %add3A_666, %mul3A_665 : vector<16xf32>
      %div3A_668 = arith.divf %mul3A_665, %sub3A_667 : vector<16xf32>
      %ge3A_669 = arith.constant 5.000000e-01 : f32
      %ge3A_670 = vector.broadcast %ge3A_669 : f32 to vector<16xf32>
      %ge3A_671 = arith.cmpf oge, %div3A_652, %ge3A_670 : vector<16xf32>
      %and3A_672 = arith.andi %and3A_599, %ge3A_671 : vector<16xi1>
      %not3A_673 = arith.constant dense<true> : vector<16xi1>
      %not3A_674 = arith.xori %or3A_596, %not3A_673 : vector<16xi1>
      %and3A_675 = arith.andi %and3A_672, %not3A_674 : vector<16xi1>
      %ge3A_676 = arith.constant 5.000000e-01 : f32
      %ge3A_677 = vector.broadcast %ge3A_676 : f32 to vector<16xf32>
      %ge3A_678 = arith.cmpf oge, %div3A_668, %ge3A_677 : vector<16xf32>
      %and3A_679 = arith.andi %and3A_602, %ge3A_678 : vector<16xi1>
      %not3A_680 = arith.constant dense<true> : vector<16xi1>
      %not3A_681 = arith.xori %or3A_596, %not3A_680 : vector<16xi1>
      %and3A_682 = arith.andi %and3A_679, %not3A_681 : vector<16xi1>
      %jit3A_683 = arith.constant 3.000000e+38 : f32
      %broadcast_in_dim3A_684 = vector.broadcast %jit3A_683 : f32 to vector<16xf32>
      %select_n3A_685 = arith.select %and3A_675, %gather3A, %broadcast_in_dim3A_684 : vector<16xi1>, vector<16xf32>
      %reduce_min3A_686 = arith.constant true
      %reduce_min3A_687 = vector.broadcast %reduce_min3A_686 : i1 to vector<16xi1>
      %reduce_min3A_688 = tpu.scan <min>, %select_n3A_685 masked %reduce_min3A_687 : vector<16xf32>, vector<16xi1> -> vector<16xf32>
      %reduce_min3A_689 = vector.extract %reduce_min3A_688[15] : f32 from vector<16xf32>
      %jit3A_690 = arith.constant 3.000000e+38 : f32
      %broadcast_in_dim3A_691 = vector.broadcast %jit3A_690 : f32 to vector<16xf32>
      %select_n3A_692 = arith.select %and3A_682, %gather3A_75, %broadcast_in_dim3A_691 : vector<16xi1>, vector<16xf32>
      %reduce_min3A_693 = arith.constant true
      %reduce_min3A_694 = vector.broadcast %reduce_min3A_693 : i1 to vector<16xi1>
      %reduce_min3A_695 = tpu.scan <min>, %select_n3A_692 masked %reduce_min3A_694 : vector<16xf32>, vector<16xi1> -> vector<16xf32>
      %reduce_min3A_696 = vector.extract %reduce_min3A_695[15] : f32 from vector<16xf32>
      %min3A_697 = arith.minimumf %reduce_min3A_689, %reduce_min3A_696 : f32
      %jit3A_698 = arith.constant 3.000000e+38 : f32
      %broadcast_in_dim3A_699 = vector.broadcast %jit3A_698 : f32 to vector<16xf32>
      %select_n3A_700 = arith.select %and3A_675, %gather3A_86, %broadcast_in_dim3A_699 : vector<16xi1>, vector<16xf32>
      %reduce_min3A_701 = arith.constant true
      %reduce_min3A_702 = vector.broadcast %reduce_min3A_701 : i1 to vector<16xi1>
      %reduce_min3A_703 = tpu.scan <min>, %select_n3A_700 masked %reduce_min3A_702 : vector<16xf32>, vector<16xi1> -> vector<16xf32>
      %reduce_min3A_704 = vector.extract %reduce_min3A_703[15] : f32 from vector<16xf32>
      %jit3A_705 = arith.constant 3.000000e+38 : f32
      %broadcast_in_dim3A_706 = vector.broadcast %jit3A_705 : f32 to vector<16xf32>
      %select_n3A_707 = arith.select %and3A_682, %gather3A_87, %broadcast_in_dim3A_706 : vector<16xi1>, vector<16xf32>
      %reduce_min3A_708 = arith.constant true
      %reduce_min3A_709 = vector.broadcast %reduce_min3A_708 : i1 to vector<16xi1>
      %reduce_min3A_710 = tpu.scan <min>, %select_n3A_707 masked %reduce_min3A_709 : vector<16xf32>, vector<16xi1> -> vector<16xf32>
      %reduce_min3A_711 = vector.extract %reduce_min3A_710[15] : f32 from vector<16xf32>
      %min3A_712 = arith.minimumf %reduce_min3A_704, %reduce_min3A_711 : f32
      %jit3A_713 = arith.constant -3.000000e+38 : f32
      %broadcast_in_dim3A_714 = vector.broadcast %jit3A_713 : f32 to vector<16xf32>
      %select_n3A_715 = arith.select %and3A_675, %gather3A_98, %broadcast_in_dim3A_714 : vector<16xi1>, vector<16xf32>
      %reduce_max3A_716 = arith.constant true
      %reduce_max3A_717 = vector.broadcast %reduce_max3A_716 : i1 to vector<16xi1>
      %reduce_max3A_718 = tpu.scan <max>, %select_n3A_715 masked %reduce_max3A_717 : vector<16xf32>, vector<16xi1> -> vector<16xf32>
      %reduce_max3A_719 = vector.extract %reduce_max3A_718[15] : f32 from vector<16xf32>
      %jit3A_720 = arith.constant -3.000000e+38 : f32
      %broadcast_in_dim3A_721 = vector.broadcast %jit3A_720 : f32 to vector<16xf32>
      %select_n3A_722 = arith.select %and3A_682, %gather3A_99, %broadcast_in_dim3A_721 : vector<16xi1>, vector<16xf32>
      %reduce_max3A_723 = arith.constant true
      %reduce_max3A_724 = vector.broadcast %reduce_max3A_723 : i1 to vector<16xi1>
      %reduce_max3A_725 = tpu.scan <max>, %select_n3A_722 masked %reduce_max3A_724 : vector<16xf32>, vector<16xi1> -> vector<16xf32>
      %reduce_max3A_726 = vector.extract %reduce_max3A_725[15] : f32 from vector<16xf32>
      %max3A_727 = arith.maximumf %reduce_max3A_719, %reduce_max3A_726 : f32
      %jit3A_728 = arith.constant -3.000000e+38 : f32
      %broadcast_in_dim3A_729 = vector.broadcast %jit3A_728 : f32 to vector<16xf32>
      %select_n3A_730 = arith.select %and3A_675, %gather3A_110, %broadcast_in_dim3A_729 : vector<16xi1>, vector<16xf32>
      %reduce_max3A_731 = arith.constant true
      %reduce_max3A_732 = vector.broadcast %reduce_max3A_731 : i1 to vector<16xi1>
      %reduce_max3A_733 = tpu.scan <max>, %select_n3A_730 masked %reduce_max3A_732 : vector<16xf32>, vector<16xi1> -> vector<16xf32>
      %reduce_max3A_734 = vector.extract %reduce_max3A_733[15] : f32 from vector<16xf32>
      %jit3A_735 = arith.constant -3.000000e+38 : f32
      %broadcast_in_dim3A_736 = vector.broadcast %jit3A_735 : f32 to vector<16xf32>
      %select_n3A_737 = arith.select %and3A_682, %gather3A_111, %broadcast_in_dim3A_736 : vector<16xi1>, vector<16xf32>
      %reduce_max3A_738 = arith.constant true
      %reduce_max3A_739 = vector.broadcast %reduce_max3A_738 : i1 to vector<16xi1>
      %reduce_max3A_740 = tpu.scan <max>, %select_n3A_737 masked %reduce_max3A_739 : vector<16xf32>, vector<16xi1> -> vector<16xf32>
      %reduce_max3A_741 = vector.extract %reduce_max3A_740[15] : f32 from vector<16xf32>
      %max3A_742 = arith.maximumf %reduce_max3A_734, %reduce_max3A_741 : f32
      %broadcast_in_dim3A_743 = vector.broadcast %min3A_697 : f32 to vector<16xf32>
      %select_n3A_744 = arith.select %or3A_596, %select_n3A_577, %broadcast_in_dim3A_743 : vector<16xi1>, vector<16xf32>
      %broadcast_in_dim3A_745 = arith.constant 2 : i32
      %broadcast_in_dim3A_746 = vector.broadcast %broadcast_in_dim3A_745 : i32 to vector<16xi32>
      %broadcast_in_dim3A_747 = arith.constant 0 : i32
      %broadcast_in_dim3A_748 = vector.broadcast %broadcast_in_dim3A_747 : i32 to vector<16xi32>
      tpu.vector_store_idx %arg13[%broadcast_in_dim3A_746, %broadcast_in_dim3A_748], %select_n3A_744 masked %eq3A_3 : memref<8x4xf32, #tpu.memory_space<vmem>>[vector<16xi32>, vector<16xi32>], vector<16xf32>, vector<16xi1>
      %broadcast_in_dim3A_749 = vector.broadcast %min3A_712 : f32 to vector<16xf32>
      %select_n3A_750 = arith.select %or3A_596, %select_n3A_583, %broadcast_in_dim3A_749 : vector<16xi1>, vector<16xf32>
      %broadcast_in_dim3A_751 = arith.constant 2 : i32
      %broadcast_in_dim3A_752 = vector.broadcast %broadcast_in_dim3A_751 : i32 to vector<16xi32>
      %broadcast_in_dim3A_753 = arith.constant 1 : i32
      %broadcast_in_dim3A_754 = vector.broadcast %broadcast_in_dim3A_753 : i32 to vector<16xi32>
      tpu.vector_store_idx %arg13[%broadcast_in_dim3A_752, %broadcast_in_dim3A_754], %select_n3A_750 masked %eq3A_3 : memref<8x4xf32, #tpu.memory_space<vmem>>[vector<16xi32>, vector<16xi32>], vector<16xf32>, vector<16xi1>
      %broadcast_in_dim3A_755 = vector.broadcast %max3A_727 : f32 to vector<16xf32>
      %select_n3A_756 = arith.select %or3A_596, %select_n3A_589, %broadcast_in_dim3A_755 : vector<16xi1>, vector<16xf32>
      %broadcast_in_dim3A_757 = arith.constant 2 : i32
      %broadcast_in_dim3A_758 = vector.broadcast %broadcast_in_dim3A_757 : i32 to vector<16xi32>
      %broadcast_in_dim3A_759 = arith.constant 2 : i32
      %broadcast_in_dim3A_760 = vector.broadcast %broadcast_in_dim3A_759 : i32 to vector<16xi32>
      tpu.vector_store_idx %arg13[%broadcast_in_dim3A_758, %broadcast_in_dim3A_760], %select_n3A_756 masked %eq3A_3 : memref<8x4xf32, #tpu.memory_space<vmem>>[vector<16xi32>, vector<16xi32>], vector<16xf32>, vector<16xi1>
      %broadcast_in_dim3A_761 = vector.broadcast %max3A_742 : f32 to vector<16xf32>
      %select_n3A_762 = arith.select %or3A_596, %select_n3A_595, %broadcast_in_dim3A_761 : vector<16xi1>, vector<16xf32>
      %broadcast_in_dim3A_763 = arith.constant 2 : i32
      %broadcast_in_dim3A_764 = vector.broadcast %broadcast_in_dim3A_763 : i32 to vector<16xi32>
      %broadcast_in_dim3A_765 = arith.constant 3 : i32
      %broadcast_in_dim3A_766 = vector.broadcast %broadcast_in_dim3A_765 : i32 to vector<16xi32>
      tpu.vector_store_idx %arg13[%broadcast_in_dim3A_764, %broadcast_in_dim3A_766], %select_n3A_762 masked %eq3A_3 : memref<8x4xf32, #tpu.memory_space<vmem>>[vector<16xi32>, vector<16xi32>], vector<16xf32>, vector<16xi1>
      %lt3A_767 = arith.constant 5.000000e-01 : f32
      %lt3A_768 = vector.broadcast %lt3A_767 : f32 to vector<16xf32>
      %lt3A_769 = arith.cmpf olt, %div3A_652, %lt3A_768 : vector<16xf32>
      %and3A_770 = arith.andi %and3A_599, %lt3A_769 : vector<16xi1>
      %lt3A_771 = arith.constant 5.000000e-01 : f32
      %lt3A_772 = vector.broadcast %lt3A_771 : f32 to vector<16xf32>
      %lt3A_773 = arith.cmpf olt, %div3A_668, %lt3A_772 : vector<16xf32>
      %and3A_774 = arith.andi %and3A_602, %lt3A_773 : vector<16xi1>
      %reduce_or3A_775 = arith.constant 1.000000e+00 : f32
      %reduce_or3A_776 = arith.constant 0.000000e+00 : f32
      %reduce_or3A_777 = vector.broadcast %reduce_or3A_775 : f32 to vector<16xf32>
      %reduce_or3A_778 = vector.broadcast %reduce_or3A_776 : f32 to vector<16xf32>
      %reduce_or3A_779 = arith.select %and3A_770, %reduce_or3A_777, %reduce_or3A_778 : vector<16xi1>, vector<16xf32>
      %reduce_or3A_780 = arith.constant true
      %reduce_or3A_781 = vector.broadcast %reduce_or3A_780 : i1 to vector<16xi1>
      %reduce_or3A_782 = tpu.scan <max>, %reduce_or3A_779 masked %reduce_or3A_781 : vector<16xf32>, vector<16xi1> -> vector<16xf32>
      %reduce_or3A_783 = vector.extract %reduce_or3A_782[15] : f32 from vector<16xf32>
      %reduce_or3A_784 = arith.constant 0.000000e+00 : f32
      %reduce_or3A_785 = arith.cmpf ogt, %reduce_or3A_783, %reduce_or3A_784 : f32
      %reduce_or3A_786 = arith.constant 1.000000e+00 : f32
      %reduce_or3A_787 = arith.constant 0.000000e+00 : f32
      %reduce_or3A_788 = vector.broadcast %reduce_or3A_786 : f32 to vector<16xf32>
      %reduce_or3A_789 = vector.broadcast %reduce_or3A_787 : f32 to vector<16xf32>
      %reduce_or3A_790 = arith.select %and3A_774, %reduce_or3A_788, %reduce_or3A_789 : vector<16xi1>, vector<16xf32>
      %reduce_or3A_791 = arith.constant true
      %reduce_or3A_792 = vector.broadcast %reduce_or3A_791 : i1 to vector<16xi1>
      %reduce_or3A_793 = tpu.scan <max>, %reduce_or3A_790 masked %reduce_or3A_792 : vector<16xf32>, vector<16xi1> -> vector<16xf32>
      %reduce_or3A_794 = vector.extract %reduce_or3A_793[15] : f32 from vector<16xf32>
      %reduce_or3A_795 = arith.constant 0.000000e+00 : f32
      %reduce_or3A_796 = arith.cmpf ogt, %reduce_or3A_794, %reduce_or3A_795 : f32
      %or3A_797 = arith.ori %reduce_or3A_785, %reduce_or3A_796 : i1
      %not3A_798 = arith.constant dense<true> : vector<16xi1>
      %not3A_799 = arith.xori %or3A_596, %not3A_798 : vector<16xi1>
      %broadcast_in_dim3A_800 = vector.broadcast %or3A_797 : i1 to vector<16xi1>
      %not3A_801 = arith.constant dense<true> : vector<16xi1>
      %not3A_802 = arith.xori %broadcast_in_dim3A_800, %not3A_801 : vector<16xi1>
      %and3A_803 = arith.andi %not3A_799, %not3A_802 : vector<16xi1>
      %or3A_804 = arith.ori %or3A_596, %and3A_803 : vector<16xi1>
      %broadcast_in_dim3A_805 = arith.constant 0 : i32
      %broadcast_in_dim3A_806 = vector.broadcast %broadcast_in_dim3A_805 : i32 to vector<16xi32>
      %broadcast_in_dim3A_807 = arith.constant 26 : i32
      %broadcast_in_dim3A_808 = vector.broadcast %broadcast_in_dim3A_807 : i32 to vector<16xi32>
      %gather3A_809 = tpu.vector_load_idx %arg12[%broadcast_in_dim3A_806, %broadcast_in_dim3A_808] : memref<4x32xf32, #tpu.memory_space<vmem>>[vector<16xi32>, vector<16xi32>], vector<16xf32>,
      %select_n3A_810 = arith.select %or3A_804, %gather3A_809, %select_n3A_577 : vector<16xi1>, vector<16xf32>
      %broadcast_in_dim3A_811 = arith.constant 1 : i32
      %broadcast_in_dim3A_812 = vector.broadcast %broadcast_in_dim3A_811 : i32 to vector<16xi32>
      %broadcast_in_dim3A_813 = arith.constant 26 : i32
      %broadcast_in_dim3A_814 = vector.broadcast %broadcast_in_dim3A_813 : i32 to vector<16xi32>
      %gather3A_815 = tpu.vector_load_idx %arg12[%broadcast_in_dim3A_812, %broadcast_in_dim3A_814] : memref<4x32xf32, #tpu.memory_space<vmem>>[vector<16xi32>, vector<16xi32>], vector<16xf32>,
      %select_n3A_816 = arith.select %or3A_804, %gather3A_815, %select_n3A_583 : vector<16xi1>, vector<16xf32>
      %broadcast_in_dim3A_817 = arith.constant 2 : i32
      %broadcast_in_dim3A_818 = vector.broadcast %broadcast_in_dim3A_817 : i32 to vector<16xi32>
      %broadcast_in_dim3A_819 = arith.constant 26 : i32
      %broadcast_in_dim3A_820 = vector.broadcast %broadcast_in_dim3A_819 : i32 to vector<16xi32>
      %gather3A_821 = tpu.vector_load_idx %arg12[%broadcast_in_dim3A_818, %broadcast_in_dim3A_820] : memref<4x32xf32, #tpu.memory_space<vmem>>[vector<16xi32>, vector<16xi32>], vector<16xf32>,
      %select_n3A_822 = arith.select %or3A_804, %gather3A_821, %select_n3A_589 : vector<16xi1>, vector<16xf32>
      %broadcast_in_dim3A_823 = arith.constant 3 : i32
      %broadcast_in_dim3A_824 = vector.broadcast %broadcast_in_dim3A_823 : i32 to vector<16xi32>
      %broadcast_in_dim3A_825 = arith.constant 26 : i32
      %broadcast_in_dim3A_826 = vector.broadcast %broadcast_in_dim3A_825 : i32 to vector<16xi32>
      %gather3A_827 = tpu.vector_load_idx %arg12[%broadcast_in_dim3A_824, %broadcast_in_dim3A_826] : memref<4x32xf32, #tpu.memory_space<vmem>>[vector<16xi32>, vector<16xi32>], vector<16xf32>,
      %select_n3A_828 = arith.select %or3A_804, %gather3A_827, %select_n3A_595 : vector<16xi1>, vector<16xf32>
      %or3A_829 = arith.ori %or3A_596, %and3A_803 : vector<16xi1>
      %not3A_830 = arith.constant dense<true> : vector<16xi1>
      %not3A_831 = arith.xori %or3A_829, %not3A_830 : vector<16xi1>
      %and3A_832 = arith.andi %and3A_770, %not3A_831 : vector<16xi1>
      %not3A_833 = arith.constant dense<true> : vector<16xi1>
      %not3A_834 = arith.xori %or3A_829, %not3A_833 : vector<16xi1>
      %and3A_835 = arith.andi %and3A_774, %not3A_834 : vector<16xi1>
      %all_reduce_ffs3A_836 = tpu.all_reduce %and3A_832 {dim = 0 : i64, kind = #tpu.reduction_kind<find_first_set>} : vector<16xi1> -> vector<16xi32>
      %all_reduce_ffs3A_837 = tpu.all_reduce %and3A_835 {dim = 0 : i64, kind = #tpu.reduction_kind<find_first_set>} : vector<16xi1> -> vector<16xi32>
      %lt3A_838 = arith.constant 16 : i32
      %lt3A_839 = vector.broadcast %lt3A_838 : i32 to vector<16xi32>
      %lt3A_840 = arith.cmpi slt, %all_reduce_ffs3A_836, %lt3A_839 : vector<16xi32>
      %lt3A_841 = arith.constant 16 : i32
      %lt3A_842 = vector.broadcast %lt3A_841 : i32 to vector<16xi32>
      %lt3A_843 = arith.cmpi slt, %all_reduce_ffs3A_837, %lt3A_842 : vector<16xi32>
      %add3A_844 = arith.constant 16 : i32
      %add3A_845 = vector.broadcast %add3A_844 : i32 to vector<16xi32>
      %add3A_846 = arith.addi %all_reduce_ffs3A_837, %add3A_845 : vector<16xi32>
      %broadcast_in_dim3A_847 = arith.constant 0 : i32
      %broadcast_in_dim3A_848 = vector.broadcast %broadcast_in_dim3A_847 : i32 to vector<16xi32>
      %select_n3A_849 = arith.select %lt3A_843, %add3A_846, %broadcast_in_dim3A_848 : vector<16xi1>, vector<16xi32>
      %select_n3A_850 = arith.select %lt3A_840, %all_reduce_ffs3A_836, %select_n3A_849 : vector<16xi1>, vector<16xi32>
      %broadcast_in_dim3A_851 = arith.constant 0 : i32
      %broadcast_in_dim3A_852 = vector.broadcast %broadcast_in_dim3A_851 : i32 to vector<16xi32>
      %gather3A_853 = tpu.vector_load_idx %arg12[%broadcast_in_dim3A_852, %select_n3A_850] : memref<4x32xf32, #tpu.memory_space<vmem>>[vector<16xi32>, vector<16xi32>], vector<16xf32>,
      %select_n3A_854 = arith.select %or3A_829, %select_n3A_810, %gather3A_853 : vector<16xi1>, vector<16xf32>
      %broadcast_in_dim3A_855 = arith.constant 1 : i32
      %broadcast_in_dim3A_856 = vector.broadcast %broadcast_in_dim3A_855 : i32 to vector<16xi32>
      %gather3A_857 = tpu.vector_load_idx %arg12[%broadcast_in_dim3A_856, %select_n3A_850] : memref<4x32xf32, #tpu.memory_space<vmem>>[vector<16xi32>, vector<16xi32>], vector<16xf32>,
      %select_n3A_858 = arith.select %or3A_829, %select_n3A_816, %gather3A_857 : vector<16xi1>, vector<16xf32>
      %broadcast_in_dim3A_859 = arith.constant 2 : i32
      %broadcast_in_dim3A_860 = vector.broadcast %broadcast_in_dim3A_859 : i32 to vector<16xi32>
      %gather3A_861 = tpu.vector_load_idx %arg12[%broadcast_in_dim3A_860, %select_n3A_850] : memref<4x32xf32, #tpu.memory_space<vmem>>[vector<16xi32>, vector<16xi32>], vector<16xf32>,
      %select_n3A_862 = arith.select %or3A_829, %select_n3A_822, %gather3A_861 : vector<16xi1>, vector<16xf32>
      %broadcast_in_dim3A_863 = arith.constant 3 : i32
      %broadcast_in_dim3A_864 = vector.broadcast %broadcast_in_dim3A_863 : i32 to vector<16xi32>
      %gather3A_865 = tpu.vector_load_idx %arg12[%broadcast_in_dim3A_864, %select_n3A_850] : memref<4x32xf32, #tpu.memory_space<vmem>>[vector<16xi32>, vector<16xi32>], vector<16xf32>,
      %select_n3A_866 = arith.select %or3A_829, %select_n3A_828, %gather3A_865 : vector<16xi1>, vector<16xf32>
      %sub3A_867 = arith.subf %select_n3A_862, %select_n3A_854 : vector<16xf32>
      %sub3A_868 = arith.subf %select_n3A_866, %select_n3A_858 : vector<16xf32>
      %mul3A_869 = arith.mulf %sub3A_867, %sub3A_868 : vector<16xf32>
      %min3A_870 = arith.minimumf %select_n3A_862, %gather3A_98 : vector<16xf32>
      %max3A_871 = arith.maximumf %select_n3A_854, %gather3A : vector<16xf32>
      %sub3A_872 = arith.subf %min3A_870, %max3A_871 : vector<16xf32>
      %max3A_873 = arith.constant 0.000000e+00 : f32
      %max3A_874 = vector.broadcast %max3A_873 : f32 to vector<16xf32>
      %max3A_875 = arith.maximumf %sub3A_872, %max3A_874 : vector<16xf32>
      %min3A_876 = arith.minimumf %select_n3A_866, %gather3A_110 : vector<16xf32>
      %max3A_877 = arith.maximumf %select_n3A_858, %gather3A_86 : vector<16xf32>
      %sub3A_878 = arith.subf %min3A_876, %max3A_877 : vector<16xf32>
      %max3A_879 = arith.constant 0.000000e+00 : f32
      %max3A_880 = vector.broadcast %max3A_879 : f32 to vector<16xf32>
      %max3A_881 = arith.maximumf %sub3A_878, %max3A_880 : vector<16xf32>
      %mul3A_882 = arith.mulf %max3A_875, %max3A_881 : vector<16xf32>
      %add3A_883 = arith.addf %mul3A_869, %mul3A : vector<16xf32>
      %sub3A_884 = arith.subf %add3A_883, %mul3A_882 : vector<16xf32>
      %div3A_885 = arith.divf %mul3A_882, %sub3A_884 : vector<16xf32>
      %min3A_886 = arith.minimumf %select_n3A_862, %gather3A_99 : vector<16xf32>
      %max3A_887 = arith.maximumf %select_n3A_854, %gather3A_75 : vector<16xf32>
      %sub3A_888 = arith.subf %min3A_886, %max3A_887 : vector<16xf32>
      %max3A_889 = arith.constant 0.000000e+00 : f32
      %max3A_890 = vector.broadcast %max3A_889 : f32 to vector<16xf32>
      %max3A_891 = arith.maximumf %sub3A_888, %max3A_890 : vector<16xf32>
      %min3A_892 = arith.minimumf %select_n3A_866, %gather3A_111 : vector<16xf32>
      %max3A_893 = arith.maximumf %select_n3A_858, %gather3A_87 : vector<16xf32>
      %sub3A_894 = arith.subf %min3A_892, %max3A_893 : vector<16xf32>
      %max3A_895 = arith.constant 0.000000e+00 : f32
      %max3A_896 = vector.broadcast %max3A_895 : f32 to vector<16xf32>
      %max3A_897 = arith.maximumf %sub3A_894, %max3A_896 : vector<16xf32>
      %mul3A_898 = arith.mulf %max3A_891, %max3A_897 : vector<16xf32>
      %add3A_899 = arith.addf %mul3A_869, %mul3A_123 : vector<16xf32>
      %sub3A_900 = arith.subf %add3A_899, %mul3A_898 : vector<16xf32>
      %div3A_901 = arith.divf %mul3A_898, %sub3A_900 : vector<16xf32>
      %ge3A_902 = arith.constant 5.000000e-01 : f32
      %ge3A_903 = vector.broadcast %ge3A_902 : f32 to vector<16xf32>
      %ge3A_904 = arith.cmpf oge, %div3A_885, %ge3A_903 : vector<16xf32>
      %and3A_905 = arith.andi %and3A_832, %ge3A_904 : vector<16xi1>
      %not3A_906 = arith.constant dense<true> : vector<16xi1>
      %not3A_907 = arith.xori %or3A_829, %not3A_906 : vector<16xi1>
      %and3A_908 = arith.andi %and3A_905, %not3A_907 : vector<16xi1>
      %ge3A_909 = arith.constant 5.000000e-01 : f32
      %ge3A_910 = vector.broadcast %ge3A_909 : f32 to vector<16xf32>
      %ge3A_911 = arith.cmpf oge, %div3A_901, %ge3A_910 : vector<16xf32>
      %and3A_912 = arith.andi %and3A_835, %ge3A_911 : vector<16xi1>
      %not3A_913 = arith.constant dense<true> : vector<16xi1>
      %not3A_914 = arith.xori %or3A_829, %not3A_913 : vector<16xi1>
      %and3A_915 = arith.andi %and3A_912, %not3A_914 : vector<16xi1>
      %jit3A_916 = arith.constant 3.000000e+38 : f32
      %broadcast_in_dim3A_917 = vector.broadcast %jit3A_916 : f32 to vector<16xf32>
      %select_n3A_918 = arith.select %and3A_908, %gather3A, %broadcast_in_dim3A_917 : vector<16xi1>, vector<16xf32>
      %reduce_min3A_919 = arith.constant true
      %reduce_min3A_920 = vector.broadcast %reduce_min3A_919 : i1 to vector<16xi1>
      %reduce_min3A_921 = tpu.scan <min>, %select_n3A_918 masked %reduce_min3A_920 : vector<16xf32>, vector<16xi1> -> vector<16xf32>
      %reduce_min3A_922 = vector.extract %reduce_min3A_921[15] : f32 from vector<16xf32>
      %jit3A_923 = arith.constant 3.000000e+38 : f32
      %broadcast_in_dim3A_924 = vector.broadcast %jit3A_923 : f32 to vector<16xf32>
      %select_n3A_925 = arith.select %and3A_915, %gather3A_75, %broadcast_in_dim3A_924 : vector<16xi1>, vector<16xf32>
      %reduce_min3A_926 = arith.constant true
      %reduce_min3A_927 = vector.broadcast %reduce_min3A_926 : i1 to vector<16xi1>
      %reduce_min3A_928 = tpu.scan <min>, %select_n3A_925 masked %reduce_min3A_927 : vector<16xf32>, vector<16xi1> -> vector<16xf32>
      %reduce_min3A_929 = vector.extract %reduce_min3A_928[15] : f32 from vector<16xf32>
      %min3A_930 = arith.minimumf %reduce_min3A_922, %reduce_min3A_929 : f32
      %jit3A_931 = arith.constant 3.000000e+38 : f32
      %broadcast_in_dim3A_932 = vector.broadcast %jit3A_931 : f32 to vector<16xf32>
      %select_n3A_933 = arith.select %and3A_908, %gather3A_86, %broadcast_in_dim3A_932 : vector<16xi1>, vector<16xf32>
      %reduce_min3A_934 = arith.constant true
      %reduce_min3A_935 = vector.broadcast %reduce_min3A_934 : i1 to vector<16xi1>
      %reduce_min3A_936 = tpu.scan <min>, %select_n3A_933 masked %reduce_min3A_935 : vector<16xf32>, vector<16xi1> -> vector<16xf32>
      %reduce_min3A_937 = vector.extract %reduce_min3A_936[15] : f32 from vector<16xf32>
      %jit3A_938 = arith.constant 3.000000e+38 : f32
      %broadcast_in_dim3A_939 = vector.broadcast %jit3A_938 : f32 to vector<16xf32>
      %select_n3A_940 = arith.select %and3A_915, %gather3A_87, %broadcast_in_dim3A_939 : vector<16xi1>, vector<16xf32>
      %reduce_min3A_941 = arith.constant true
      %reduce_min3A_942 = vector.broadcast %reduce_min3A_941 : i1 to vector<16xi1>
      %reduce_min3A_943 = tpu.scan <min>, %select_n3A_940 masked %reduce_min3A_942 : vector<16xf32>, vector<16xi1> -> vector<16xf32>
      %reduce_min3A_944 = vector.extract %reduce_min3A_943[15] : f32 from vector<16xf32>
      %min3A_945 = arith.minimumf %reduce_min3A_937, %reduce_min3A_944 : f32
      %jit3A_946 = arith.constant -3.000000e+38 : f32
      %broadcast_in_dim3A_947 = vector.broadcast %jit3A_946 : f32 to vector<16xf32>
      %select_n3A_948 = arith.select %and3A_908, %gather3A_98, %broadcast_in_dim3A_947 : vector<16xi1>, vector<16xf32>
      %reduce_max3A_949 = arith.constant true
      %reduce_max3A_950 = vector.broadcast %reduce_max3A_949 : i1 to vector<16xi1>
      %reduce_max3A_951 = tpu.scan <max>, %select_n3A_948 masked %reduce_max3A_950 : vector<16xf32>, vector<16xi1> -> vector<16xf32>
      %reduce_max3A_952 = vector.extract %reduce_max3A_951[15] : f32 from vector<16xf32>
      %jit3A_953 = arith.constant -3.000000e+38 : f32
      %broadcast_in_dim3A_954 = vector.broadcast %jit3A_953 : f32 to vector<16xf32>
      %select_n3A_955 = arith.select %and3A_915, %gather3A_99, %broadcast_in_dim3A_954 : vector<16xi1>, vector<16xf32>
      %reduce_max3A_956 = arith.constant true
      %reduce_max3A_957 = vector.broadcast %reduce_max3A_956 : i1 to vector<16xi1>
      %reduce_max3A_958 = tpu.scan <max>, %select_n3A_955 masked %reduce_max3A_957 : vector<16xf32>, vector<16xi1> -> vector<16xf32>
      %reduce_max3A_959 = vector.extract %reduce_max3A_958[15] : f32 from vector<16xf32>
      %max3A_960 = arith.maximumf %reduce_max3A_952, %reduce_max3A_959 : f32
      %jit3A_961 = arith.constant -3.000000e+38 : f32
      %broadcast_in_dim3A_962 = vector.broadcast %jit3A_961 : f32 to vector<16xf32>
      %select_n3A_963 = arith.select %and3A_908, %gather3A_110, %broadcast_in_dim3A_962 : vector<16xi1>, vector<16xf32>
      %reduce_max3A_964 = arith.constant true
      %reduce_max3A_965 = vector.broadcast %reduce_max3A_964 : i1 to vector<16xi1>
      %reduce_max3A_966 = tpu.scan <max>, %select_n3A_963 masked %reduce_max3A_965 : vector<16xf32>, vector<16xi1> -> vector<16xf32>
      %reduce_max3A_967 = vector.extract %reduce_max3A_966[15] : f32 from vector<16xf32>
      %jit3A_968 = arith.constant -3.000000e+38 : f32
      %broadcast_in_dim3A_969 = vector.broadcast %jit3A_968 : f32 to vector<16xf32>
      %select_n3A_970 = arith.select %and3A_915, %gather3A_111, %broadcast_in_dim3A_969 : vector<16xi1>, vector<16xf32>
      %reduce_max3A_971 = arith.constant true
      %reduce_max3A_972 = vector.broadcast %reduce_max3A_971 : i1 to vector<16xi1>
      %reduce_max3A_973 = tpu.scan <max>, %select_n3A_970 masked %reduce_max3A_972 : vector<16xf32>, vector<16xi1> -> vector<16xf32>
      %reduce_max3A_974 = vector.extract %reduce_max3A_973[15] : f32 from vector<16xf32>
      %max3A_975 = arith.maximumf %reduce_max3A_967, %reduce_max3A_974 : f32
      %broadcast_in_dim3A_976 = vector.broadcast %min3A_930 : f32 to vector<16xf32>
      %select_n3A_977 = arith.select %or3A_829, %select_n3A_810, %broadcast_in_dim3A_976 : vector<16xi1>, vector<16xf32>
      %broadcast_in_dim3A_978 = arith.constant 3 : i32
      %broadcast_in_dim3A_979 = vector.broadcast %broadcast_in_dim3A_978 : i32 to vector<16xi32>
      %broadcast_in_dim3A_980 = arith.constant 0 : i32
      %broadcast_in_dim3A_981 = vector.broadcast %broadcast_in_dim3A_980 : i32 to vector<16xi32>
      tpu.vector_store_idx %arg13[%broadcast_in_dim3A_979, %broadcast_in_dim3A_981], %select_n3A_977 masked %eq3A_3 : memref<8x4xf32, #tpu.memory_space<vmem>>[vector<16xi32>, vector<16xi32>], vector<16xf32>, vector<16xi1>
      %broadcast_in_dim3A_982 = vector.broadcast %min3A_945 : f32 to vector<16xf32>
      %select_n3A_983 = arith.select %or3A_829, %select_n3A_816, %broadcast_in_dim3A_982 : vector<16xi1>, vector<16xf32>
      %broadcast_in_dim3A_984 = arith.constant 3 : i32
      %broadcast_in_dim3A_985 = vector.broadcast %broadcast_in_dim3A_984 : i32 to vector<16xi32>
      %broadcast_in_dim3A_986 = arith.constant 1 : i32
      %broadcast_in_dim3A_987 = vector.broadcast %broadcast_in_dim3A_986 : i32 to vector<16xi32>
      tpu.vector_store_idx %arg13[%broadcast_in_dim3A_985, %broadcast_in_dim3A_987], %select_n3A_983 masked %eq3A_3 : memref<8x4xf32, #tpu.memory_space<vmem>>[vector<16xi32>, vector<16xi32>], vector<16xf32>, vector<16xi1>
      %broadcast_in_dim3A_988 = vector.broadcast %max3A_960 : f32 to vector<16xf32>
      %select_n3A_989 = arith.select %or3A_829, %select_n3A_822, %broadcast_in_dim3A_988 : vector<16xi1>, vector<16xf32>
      %broadcast_in_dim3A_990 = arith.constant 3 : i32
      %broadcast_in_dim3A_991 = vector.broadcast %broadcast_in_dim3A_990 : i32 to vector<16xi32>
      %broadcast_in_dim3A_992 = arith.constant 2 : i32
      %broadcast_in_dim3A_993 = vector.broadcast %broadcast_in_dim3A_992 : i32 to vector<16xi32>
      tpu.vector_store_idx %arg13[%broadcast_in_dim3A_991, %broadcast_in_dim3A_993], %select_n3A_989 masked %eq3A_3 : memref<8x4xf32, #tpu.memory_space<vmem>>[vector<16xi32>, vector<16xi32>], vector<16xf32>, vector<16xi1>
      %broadcast_in_dim3A_994 = vector.broadcast %max3A_975 : f32 to vector<16xf32>
      %select_n3A_995 = arith.select %or3A_829, %select_n3A_828, %broadcast_in_dim3A_994 : vector<16xi1>, vector<16xf32>
      %broadcast_in_dim3A_996 = arith.constant 3 : i32
      %broadcast_in_dim3A_997 = vector.broadcast %broadcast_in_dim3A_996 : i32 to vector<16xi32>
      %broadcast_in_dim3A_998 = arith.constant 3 : i32
      %broadcast_in_dim3A_999 = vector.broadcast %broadcast_in_dim3A_998 : i32 to vector<16xi32>
      tpu.vector_store_idx %arg13[%broadcast_in_dim3A_997, %broadcast_in_dim3A_999], %select_n3A_995 masked %eq3A_3 : memref<8x4xf32, #tpu.memory_space<vmem>>[vector<16xi32>, vector<16xi32>], vector<16xf32>, vector<16xi1>
      %lt3A_1000 = arith.constant 5.000000e-01 : f32
      %lt3A_1001 = vector.broadcast %lt3A_1000 : f32 to vector<16xf32>
      %lt3A_1002 = arith.cmpf olt, %div3A_885, %lt3A_1001 : vector<16xf32>
      %and3A_1003 = arith.andi %and3A_832, %lt3A_1002 : vector<16xi1>
      %lt3A_1004 = arith.constant 5.000000e-01 : f32
      %lt3A_1005 = vector.broadcast %lt3A_1004 : f32 to vector<16xf32>
      %lt3A_1006 = arith.cmpf olt, %div3A_901, %lt3A_1005 : vector<16xf32>
      %and3A_1007 = arith.andi %and3A_835, %lt3A_1006 : vector<16xi1>
      %reduce_or3A_1008 = arith.constant 1.000000e+00 : f32
      %reduce_or3A_1009 = arith.constant 0.000000e+00 : f32
      %reduce_or3A_1010 = vector.broadcast %reduce_or3A_1008 : f32 to vector<16xf32>
      %reduce_or3A_1011 = vector.broadcast %reduce_or3A_1009 : f32 to vector<16xf32>
      %reduce_or3A_1012 = arith.select %and3A_1003, %reduce_or3A_1010, %reduce_or3A_1011 : vector<16xi1>, vector<16xf32>
      %reduce_or3A_1013 = arith.constant true
      %reduce_or3A_1014 = vector.broadcast %reduce_or3A_1013 : i1 to vector<16xi1>
      %reduce_or3A_1015 = tpu.scan <max>, %reduce_or3A_1012 masked %reduce_or3A_1014 : vector<16xf32>, vector<16xi1> -> vector<16xf32>
      %reduce_or3A_1016 = vector.extract %reduce_or3A_1015[15] : f32 from vector<16xf32>
      %reduce_or3A_1017 = arith.constant 0.000000e+00 : f32
      %reduce_or3A_1018 = arith.cmpf ogt, %reduce_or3A_1016, %reduce_or3A_1017 : f32
      %reduce_or3A_1019 = arith.constant 1.000000e+00 : f32
      %reduce_or3A_1020 = arith.constant 0.000000e+00 : f32
      %reduce_or3A_1021 = vector.broadcast %reduce_or3A_1019 : f32 to vector<16xf32>
      %reduce_or3A_1022 = vector.broadcast %reduce_or3A_1020 : f32 to vector<16xf32>
      %reduce_or3A_1023 = arith.select %and3A_1007, %reduce_or3A_1021, %reduce_or3A_1022 : vector<16xi1>, vector<16xf32>
      %reduce_or3A_1024 = arith.constant true
      %reduce_or3A_1025 = vector.broadcast %reduce_or3A_1024 : i1 to vector<16xi1>
      %reduce_or3A_1026 = tpu.scan <max>, %reduce_or3A_1023 masked %reduce_or3A_1025 : vector<16xf32>, vector<16xi1> -> vector<16xf32>
      %reduce_or3A_1027 = vector.extract %reduce_or3A_1026[15] : f32 from vector<16xf32>
      %reduce_or3A_1028 = arith.constant 0.000000e+00 : f32
      %reduce_or3A_1029 = arith.cmpf ogt, %reduce_or3A_1027, %reduce_or3A_1028 : f32
      %or3A_1030 = arith.ori %reduce_or3A_1018, %reduce_or3A_1029 : i1
      %not3A_1031 = arith.constant dense<true> : vector<16xi1>
      %not3A_1032 = arith.xori %or3A_829, %not3A_1031 : vector<16xi1>
      %broadcast_in_dim3A_1033 = vector.broadcast %or3A_1030 : i1 to vector<16xi1>
      %not3A_1034 = arith.constant dense<true> : vector<16xi1>
      %not3A_1035 = arith.xori %broadcast_in_dim3A_1033, %not3A_1034 : vector<16xi1>
      %and3A_1036 = arith.andi %not3A_1032, %not3A_1035 : vector<16xi1>
      %or3A_1037 = arith.ori %or3A_829, %and3A_1036 : vector<16xi1>
      %broadcast_in_dim3A_1038 = arith.constant 0 : i32
      %broadcast_in_dim3A_1039 = vector.broadcast %broadcast_in_dim3A_1038 : i32 to vector<16xi32>
      %broadcast_in_dim3A_1040 = arith.constant 27 : i32
      %broadcast_in_dim3A_1041 = vector.broadcast %broadcast_in_dim3A_1040 : i32 to vector<16xi32>
      %gather3A_1042 = tpu.vector_load_idx %arg12[%broadcast_in_dim3A_1039, %broadcast_in_dim3A_1041] : memref<4x32xf32, #tpu.memory_space<vmem>>[vector<16xi32>, vector<16xi32>], vector<16xf32>,
      %select_n3A_1043 = arith.select %or3A_1037, %gather3A_1042, %select_n3A_810 : vector<16xi1>, vector<16xf32>
      %broadcast_in_dim3A_1044 = arith.constant 1 : i32
      %broadcast_in_dim3A_1045 = vector.broadcast %broadcast_in_dim3A_1044 : i32 to vector<16xi32>
      %broadcast_in_dim3A_1046 = arith.constant 27 : i32
      %broadcast_in_dim3A_1047 = vector.broadcast %broadcast_in_dim3A_1046 : i32 to vector<16xi32>
      %gather3A_1048 = tpu.vector_load_idx %arg12[%broadcast_in_dim3A_1045, %broadcast_in_dim3A_1047] : memref<4x32xf32, #tpu.memory_space<vmem>>[vector<16xi32>, vector<16xi32>], vector<16xf32>,
      %select_n3A_1049 = arith.select %or3A_1037, %gather3A_1048, %select_n3A_816 : vector<16xi1>, vector<16xf32>
      %broadcast_in_dim3A_1050 = arith.constant 2 : i32
      %broadcast_in_dim3A_1051 = vector.broadcast %broadcast_in_dim3A_1050 : i32 to vector<16xi32>
      %broadcast_in_dim3A_1052 = arith.constant 27 : i32
      %broadcast_in_dim3A_1053 = vector.broadcast %broadcast_in_dim3A_1052 : i32 to vector<16xi32>
      %gather3A_1054 = tpu.vector_load_idx %arg12[%broadcast_in_dim3A_1051, %broadcast_in_dim3A_1053] : memref<4x32xf32, #tpu.memory_space<vmem>>[vector<16xi32>, vector<16xi32>], vector<16xf32>,
      %select_n3A_1055 = arith.select %or3A_1037, %gather3A_1054, %select_n3A_822 : vector<16xi1>, vector<16xf32>
      %broadcast_in_dim3A_1056 = arith.constant 3 : i32
      %broadcast_in_dim3A_1057 = vector.broadcast %broadcast_in_dim3A_1056 : i32 to vector<16xi32>
      %broadcast_in_dim3A_1058 = arith.constant 27 : i32
      %broadcast_in_dim3A_1059 = vector.broadcast %broadcast_in_dim3A_1058 : i32 to vector<16xi32>
      %gather3A_1060 = tpu.vector_load_idx %arg12[%broadcast_in_dim3A_1057, %broadcast_in_dim3A_1059] : memref<4x32xf32, #tpu.memory_space<vmem>>[vector<16xi32>, vector<16xi32>], vector<16xf32>,
      %select_n3A_1061 = arith.select %or3A_1037, %gather3A_1060, %select_n3A_828 : vector<16xi1>, vector<16xf32>
      %or3A_1062 = arith.ori %or3A_829, %and3A_1036 : vector<16xi1>
      %not3A_1063 = arith.constant dense<true> : vector<16xi1>
      %not3A_1064 = arith.xori %or3A_1062, %not3A_1063 : vector<16xi1>
      %and3A_1065 = arith.andi %and3A_1003, %not3A_1064 : vector<16xi1>
      %not3A_1066 = arith.constant dense<true> : vector<16xi1>
      %not3A_1067 = arith.xori %or3A_1062, %not3A_1066 : vector<16xi1>
      %and3A_1068 = arith.andi %and3A_1007, %not3A_1067 : vector<16xi1>
      %broadcast_in_dim3A_1069 = arith.constant 0 : i32
      %broadcast_in_dim3A_1070 = vector.broadcast %broadcast_in_dim3A_1069 : i32 to vector<16xi32>
      %broadcast_in_dim3A_1071 = arith.constant 27 : i32
      %broadcast_in_dim3A_1072 = vector.broadcast %broadcast_in_dim3A_1071 : i32 to vector<16xi32>
      %gather3A_1073 = tpu.vector_load_idx %arg12[%broadcast_in_dim3A_1070, %broadcast_in_dim3A_1072] : memref<4x32xf32, #tpu.memory_space<vmem>>[vector<16xi32>, vector<16xi32>], vector<16xf32>,
      %broadcast_in_dim3A_1074 = arith.constant 4 : i32
      %broadcast_in_dim3A_1075 = vector.broadcast %broadcast_in_dim3A_1074 : i32 to vector<16xi32>
      %broadcast_in_dim3A_1076 = arith.constant 0 : i32
      %broadcast_in_dim3A_1077 = vector.broadcast %broadcast_in_dim3A_1076 : i32 to vector<16xi32>
      tpu.vector_store_idx %arg13[%broadcast_in_dim3A_1075, %broadcast_in_dim3A_1077], %gather3A_1073 masked %eq3A_3 : memref<8x4xf32, #tpu.memory_space<vmem>>[vector<16xi32>, vector<16xi32>], vector<16xf32>, vector<16xi1>
      %broadcast_in_dim3A_1078 = arith.constant 1 : i32
      %broadcast_in_dim3A_1079 = vector.broadcast %broadcast_in_dim3A_1078 : i32 to vector<16xi32>
      %broadcast_in_dim3A_1080 = arith.constant 27 : i32
      %broadcast_in_dim3A_1081 = vector.broadcast %broadcast_in_dim3A_1080 : i32 to vector<16xi32>
      %gather3A_1082 = tpu.vector_load_idx %arg12[%broadcast_in_dim3A_1079, %broadcast_in_dim3A_1081] : memref<4x32xf32, #tpu.memory_space<vmem>>[vector<16xi32>, vector<16xi32>], vector<16xf32>,
      %broadcast_in_dim3A_1083 = arith.constant 4 : i32
      %broadcast_in_dim3A_1084 = vector.broadcast %broadcast_in_dim3A_1083 : i32 to vector<16xi32>
      %broadcast_in_dim3A_1085 = arith.constant 1 : i32
      %broadcast_in_dim3A_1086 = vector.broadcast %broadcast_in_dim3A_1085 : i32 to vector<16xi32>
      tpu.vector_store_idx %arg13[%broadcast_in_dim3A_1084, %broadcast_in_dim3A_1086], %gather3A_1082 masked %eq3A_3 : memref<8x4xf32, #tpu.memory_space<vmem>>[vector<16xi32>, vector<16xi32>], vector<16xf32>, vector<16xi1>
      %broadcast_in_dim3A_1087 = arith.constant 2 : i32
      %broadcast_in_dim3A_1088 = vector.broadcast %broadcast_in_dim3A_1087 : i32 to vector<16xi32>
      %broadcast_in_dim3A_1089 = arith.constant 27 : i32
      %broadcast_in_dim3A_1090 = vector.broadcast %broadcast_in_dim3A_1089 : i32 to vector<16xi32>
      %gather3A_1091 = tpu.vector_load_idx %arg12[%broadcast_in_dim3A_1088, %broadcast_in_dim3A_1090] : memref<4x32xf32, #tpu.memory_space<vmem>>[vector<16xi32>, vector<16xi32>], vector<16xf32>,
      %broadcast_in_dim3A_1092 = arith.constant 4 : i32
      %broadcast_in_dim3A_1093 = vector.broadcast %broadcast_in_dim3A_1092 : i32 to vector<16xi32>
      %broadcast_in_dim3A_1094 = arith.constant 2 : i32
      %broadcast_in_dim3A_1095 = vector.broadcast %broadcast_in_dim3A_1094 : i32 to vector<16xi32>
      tpu.vector_store_idx %arg13[%broadcast_in_dim3A_1093, %broadcast_in_dim3A_1095], %gather3A_1091 masked %eq3A_3 : memref<8x4xf32, #tpu.memory_space<vmem>>[vector<16xi32>, vector<16xi32>], vector<16xf32>, vector<16xi1>
      %broadcast_in_dim3A_1096 = arith.constant 3 : i32
      %broadcast_in_dim3A_1097 = vector.broadcast %broadcast_in_dim3A_1096 : i32 to vector<16xi32>
      %broadcast_in_dim3A_1098 = arith.constant 27 : i32
      %broadcast_in_dim3A_1099 = vector.broadcast %broadcast_in_dim3A_1098 : i32 to vector<16xi32>
      %gather3A_1100 = tpu.vector_load_idx %arg12[%broadcast_in_dim3A_1097, %broadcast_in_dim3A_1099] : memref<4x32xf32, #tpu.memory_space<vmem>>[vector<16xi32>, vector<16xi32>], vector<16xf32>,
      %broadcast_in_dim3A_1101 = arith.constant 4 : i32
      %broadcast_in_dim3A_1102 = vector.broadcast %broadcast_in_dim3A_1101 : i32 to vector<16xi32>
      %broadcast_in_dim3A_1103 = arith.constant 3 : i32
      %broadcast_in_dim3A_1104 = vector.broadcast %broadcast_in_dim3A_1103 : i32 to vector<16xi32>
      tpu.vector_store_idx %arg13[%broadcast_in_dim3A_1102, %broadcast_in_dim3A_1104], %gather3A_1100 masked %eq3A_3 : memref<8x4xf32, #tpu.memory_space<vmem>>[vector<16xi32>, vector<16xi32>], vector<16xf32>, vector<16xi1>
      "tpu.region"() ({
        %run_scoped3A = tpu.sem_alloc : memref<!tpu.dma_semaphore, #tpu.memory_space<semaphore_mem>>
        %dma_start3A_1105 = arith.constant 0 : i32
        %dma_start3A_1106 = arith.constant 0 : i32
        %dma_start3A_1107 = tpu.memref_slice %arg13[%dma_start3A_1105, %dma_start3A_1106] : memref<8x4xf32, #tpu.memory_space<vmem>> -> memref<5x4xf32, #tpu.memory_space<vmem>>
        %dma_start3A_1108 = arith.constant 0 : i32
        %dma_start3A_1109 = arith.constant 0 : i32
        %dma_start3A_1110 = tpu.memref_slice %arg5[%arg1, %dma_start3A_1108, %dma_start3A_1109] : memref<16x5x4xf32, #tpu.memory_space<hbm>> -> memref<1x5x4xf32, #tpu.memory_space<hbm>>
        %dma_start3A_1111 = tpu.memref_squeeze %dma_start3A_1110 : memref<1x5x4xf32, #tpu.memory_space<hbm>> -> memref<5x4xf32, #tpu.memory_space<hbm>>
        %dma_start3A_1112 = arith.constant 0 : i32
        %dma_start3A_1113 = arith.constant 0 : i32
        %dma_start3A_1114 = tpu.memref_slice %arg5[%arg1, %dma_start3A_1112, %dma_start3A_1113] : memref<16x5x4xf32, #tpu.memory_space<hbm>> -> memref<1x5x4xf32, #tpu.memory_space<hbm>>
        %dma_start3A_1115 = tpu.memref_squeeze %dma_start3A_1114 : memref<1x5x4xf32, #tpu.memory_space<hbm>> -> memref<5x4xf32, #tpu.memory_space<hbm>>
        %dma_start3A_1116 = arith.constant 0 : i32
        %dma_start3A_1117 = arith.constant 0 : i32
        %dma_start3A_1118 = tpu.memref_slice %arg13[%dma_start3A_1116, %dma_start3A_1117] : memref<8x4xf32, #tpu.memory_space<vmem>> -> memref<5x4xf32, #tpu.memory_space<vmem>>
        tpu.enqueue_dma source(%dma_start3A_1118 : memref<5x4xf32, #tpu.memory_space<vmem>>) target(%dma_start3A_1115 : memref<5x4xf32, #tpu.memory_space<hbm>>) target_semaphore(%run_scoped3A : memref<!tpu.dma_semaphore, #tpu.memory_space<semaphore_mem>>)
        %dma_wait3A_1119 = arith.constant 0 : i32
        %dma_wait3A_1120 = arith.constant 0 : i32
        %dma_wait3A_1121 = tpu.memref_slice %arg13[%dma_wait3A_1119, %dma_wait3A_1120] : memref<8x4xf32, #tpu.memory_space<vmem>> -> memref<5x4xf32, #tpu.memory_space<vmem>>
        %dma_wait3A_1122 = arith.constant 0 : i32
        %dma_wait3A_1123 = arith.constant 0 : i32
        %dma_wait3A_1124 = tpu.memref_slice %arg5[%arg1, %dma_wait3A_1122, %dma_wait3A_1123] : memref<16x5x4xf32, #tpu.memory_space<hbm>> -> memref<1x5x4xf32, #tpu.memory_space<hbm>>
        %dma_wait3A_1125 = tpu.memref_squeeze %dma_wait3A_1124 : memref<1x5x4xf32, #tpu.memory_space<hbm>> -> memref<5x4xf32, #tpu.memory_space<hbm>>
        %dma_wait3A_1126 = arith.constant 0 : i32
        %dma_wait3A_1127 = arith.constant 0 : i32
        %dma_wait3A_1128 = tpu.memref_slice %arg5[%arg1, %dma_wait3A_1126, %dma_wait3A_1127] : memref<16x5x4xf32, #tpu.memory_space<hbm>> -> memref<1x5x4xf32, #tpu.memory_space<hbm>>
        %dma_wait3A_1129 = tpu.memref_squeeze %dma_wait3A_1128 : memref<1x5x4xf32, #tpu.memory_space<hbm>> -> memref<5x4xf32, #tpu.memory_space<hbm>>
        %dma_wait3A_1130 = arith.constant 0 : i32
        %dma_wait3A_1131 = arith.constant 0 : i32
        %dma_wait3A_1132 = tpu.memref_slice %arg13[%dma_wait3A_1130, %dma_wait3A_1131] : memref<8x4xf32, #tpu.memory_space<vmem>> -> memref<5x4xf32, #tpu.memory_space<vmem>>
        tpu.wait_dma2 semaphore(%run_scoped3A : memref<!tpu.dma_semaphore, #tpu.memory_space<semaphore_mem>>) src(%dma_wait3A_1132 : memref<5x4xf32, #tpu.memory_space<vmem>>) dst(%dma_wait3A_1129 : memref<5x4xf32, #tpu.memory_space<hbm>>)
        tpu.yield
      }) : () -> ()
    } else {
    }
    return
  }
}

</mosaic_0001>

<sc_bundles>
// kernel: kernel.3.cloned.1.call-start
scs
__scs_entry_jumppad:
0x0: {  	(pc) =	sbr.rel $0x88, $3  }
0x1: {  	(tag) =	ssettag $0x0;
	lr =	simm.s32 $0x1  }
0x2: {  	[smem:$0x3F9F] =	sst lr;
	_ =	strace $0xD0000000  }
0x3: {  	_ = 	snop  }
0x4: {  	_ = 	snop  }
0x5: {  	_ = 	snop  }
0x6: {  	_ = 	snop  }
0x7: {  	_ = 	snop  }
__scs_overlays_trampoline_lowered:
0x8: {  	[smem:$0x3FAE] =	sst s0  }
0x9: {  	[smem:$0x3FAF] =	sst s1  }
0xa: {  	[smem:$0x3FB0] =	sst s2  }
0xb: {  	[smem:$0x3FB1] =	sst s3  }
0xc: {  	[smem:$0x3FB2] =	sst s4  }
0xd: {  	[smem:$0x3FB3] =	sst s5  }
0xe: {  	[smem:$0x3FB4] =	sst s6  }
0xf: {  	[smem:$0x3FB5] =	sst s7  }
0x10: {  	[smem:$0x3FB6] =	sst s8  }
0x11: {  	[smem:$0x3FB7] =	sst s9;
	s0 =	simm.s32 @!p0 $0x0  }
0x12: {  	s1 =	sld [smem:$0x3F9D];
	s0 =	simm.s32 @p0 $0x1  }
0x13: {  	[smem:$0x3FB8] =	sst s0;
	s0 =	simm.s32 @!p1 $0x0  }
0x14: {  	s2 =	sld [smem:$0x3F9C];
	s0 =	simm.s32 @p1 $0x1  }
0x15: {  	[smem:$0x3FB9] =	sst s0;
	s0 =	simm.s32 @!p2 $0x0  }
0x16: {  	s3 =	sld [smem:$0x3FDB];
	s0 =	simm.s32 @p2 $0x1  }
0x17: {  	s4 =	simm.s32 $0x1BF5;
	[smem:$0x3FBB] =	sst s0  }
0x18: {  	s0 =	sld [smem:$0x3F9E];
	_ =	swait.ge [sflag:s4], $0x0  }
0x19: {  	s7 =	sld [smem:$0x3F9F]  }
0x1a: {  	s8 =	sadd.s32 $0xFFFFE003, lr  }
0x1b: {  	s9 =	sadd.s32 $0xFFFFFEF7, lr;
	s5 =	simm.s32 $0xFFFFFFFF;
	p2 =	slt.u32 s8, $0xFFFFF086  }
0x1c: {  	p1 =	slt.u32 s9, $0xF7A;
	s5 =	simm.s32 @!p2 $0x0  }
0x1d: {  	s5 =	simm.s32 @p1 $0x1;
	p0 =	seq.s32 s7, s2  }
0x1e: {  	s7 =	smul.u32 @!p0 $0xF7A, s2;
	p2 =	seq.s32 @!p0 s5, $0x0  }
0x1f: {  	s9 =	smul.u32 $0xF7A, s1;
	s8 =	simm.s32 @!p0 $0x1BF5;
	p2 =	por !p2, p0  }
0x20: {  	[sflag:s8] =	ssyncset.s32 @!p0 $0xFFFFF086;
	s6 =	sadd.s32 @!p0 s3, s7;
	s7 =	simm.s32 @!p0 $0x108  }
0x21: {  	s3 =	sadd.s32 s3, s9;
	s6 =	sadd.s32 @!p0 $0x88, s6;
	s7 =	simm.s32 @p2 $0x1082  }
0x22: {  	[simem:s7], [sflag:s8] =	dma.local @!p0 [hbm:s6], $0xF7A  }
0x23: {  	s9 =	sor.u32 $0xD0000000, s2;
	s6 =	simm.s32 $0x108;
	_ =	swait.ge @!p0 [sflag:s8], $0x0  }
0x24: {  	s3 =	sadd.s32 $0x88, s3;
	s6 =	simm.s32 @!p1 $0x1082;
	[sflag:s4] =	ssyncset.s32 $0xFFFFF086  }
0x25: {  	[simem:s6], [sflag:s4] =	dma.local [hbm:s3], $0xF7A  }
0x26: {  	[smem:$0x3F9F] =	sst s1;
	(tag) =	ssettag s2;
	_ =	strace s9  }
0x27: {  	s1 =	sld [smem:$0x3FAF]  }
0x28: {  	s2 =	sld [smem:$0x3FB0]  }
0x29: {  	s4 =	sld [smem:$0x3FB2]  }
0x2a: {  	p0 =	seq.s32 s5, $0x0;
	s5 =	sld [smem:$0x3FB3]  }
0x2b: {  	s6 =	sld [smem:$0x3FB4]  }
0x2c: {  	s7 =	sld [smem:$0x3FB5]  }
0x2d: {  	s3 =	simm.s32 $0x108;
	s8 =	sld [smem:$0x3FB6]  }
0x2e: {  	s3 =	simm.s32 @!p0 $0x1082;
	s9 =	sld [smem:$0x3FB7]  }
0x2f: {  	lr =	sadd.s32 s0, s3;
	s0 =	sld [smem:$0x3FAE]  }
0x30: {  	s3 =	sld [smem:$0x3FB1]  }
0x31: {  	[smem:$0x3FBA] =	sst s10  }
0x32: {  	s10 =	sld [smem:$0x3FB8];
	_ =	sdelay $0x3  }
0x33: {  	p0 =	seq.s32 s10, $0x1;
	s10 =	sld [smem:$0x3FBA];
	_ =	sdelay $0x3  }
0x34: {  	[smem:$0x3FBA] =	sst s10  }
0x35: {  	s10 =	sld [smem:$0x3FB9];
	_ =	sdelay $0x3  }
0x36: {  	p1 =	seq.s32 s10, $0x1;
	s10 =	sld [smem:$0x3FBA];
	_ =	sdelay $0x3  }
0x37: {  	[smem:$0x3FBA] =	sst s10  }
0x38: {  	s10 =	sld [smem:$0x3FBB]  }
0x39: {  	_ = 	snop;
	(pc) =	sbr.ind lr, $3  }
0x3a: {  	_ = 	snop  }
0x3b: {  	_ = 	snop  }
0x3c: {  	p2 =	seq.s32 s10, $0x1;
	s10 =	sld [smem:$0x3FBA]  }
0x3d: {  	_ =	shalt  }
0x3e: {  	_ =	shalt  }
0x3f: {  	_ =	shalt  }
0x40: {  	_ =	shalt  }
0x41: {  	_ =	shalt  }
0x42: {  	_ =	shalt  }
0x43: {  	_ =	shalt  }
0x44: {  	_ =	shalt  }
0x45: {  	_ =	shalt  }
0x46: {  	_ =	shalt  }
0x47: {  	_ =	shalt  }
0x48: {  	_ =	shalt  }
0x49: {  	_ =	shalt  }
0x4a: {  	_ =	shalt  }
0x4b: {  	_ =	shalt  }
0x4c: {  	_ =	shalt  }
0x4d: {  	_ =	shalt  }
0x4e: {  	_ =	shalt  }
0x4f: {  	_ =	shalt  }
0x50: {  	_ =	shalt  }
0x51: {  	_ =	shalt  }
0x52: {  	_ =	shalt  }
0x53: {  	_ =	shalt  }
0x54: {  	_ =	shalt  }
0x55: {  	_ =	shalt  }
0x56: {  	_ =	shalt  }
0x57: {  	_ =	shalt  }
0x58: {  	_ =	shalt  }
0x59: {  	_ =	shalt  }
0x5a: {  	_ =	shalt  }
0x5b: {  	_ =	shalt  }
0x5c: {  	_ =	shalt  }
0x5d: {  	_ =	shalt  }
0x5e: {  	_ =	shalt  }
0x5f: {  	_ =	shalt  }
0x60: {  	_ =	shalt  }
0x61: {  	_ =	shalt  }
0x62: {  	_ =	shalt  }
0x63: {  	_ =	shalt  }
0x64: {  	_ =	shalt  }
0x65: {  	_ =	shalt  }
0x66: {  	_ =	shalt  }
0x67: {  	_ =	shalt  }
0x68: {  	_ =	shalt  }
0x69: {  	_ =	shalt  }
0x6a: {  	_ =	shalt  }
0x6b: {  	_ =	shalt  }
0x6c: {  	_ =	shalt  }
0x6d: {  	_ =	shalt  }
0x6e: {  	_ =	shalt  }
0x6f: {  	_ =	shalt  }
0x70: {  	_ =	shalt  }
0x71: {  	_ =	shalt  }
0x72: {  	_ =	shalt  }
0x73: {  	_ =	shalt  }
0x74: {  	_ =	shalt  }
0x75: {  	_ =	shalt  }
0x76: {  	_ =	shalt  }
0x77: {  	_ =	shalt  }
0x78: {  	_ =	shalt  }
0x79: {  	_ =	shalt  }
0x7a: {  	_ =	shalt  }
0x7b: {  	_ =	shalt  }
0x7c: {  	_ =	shalt  }
0x7d: {  	_ =	shalt  }
0x7e: {  	_ =	shalt  }
0x7f: {  	_ =	shalt  }
0x80: {  	_ =	shalt  }
0x81: {  	_ =	shalt  }
0x82: {  	_ =	shalt  }
0x83: {  	_ =	shalt  }
0x84: {  	_ =	shalt  }
0x85: {  	_ =	shalt  }
0x86: {  	_ =	shalt  }
0x87: {  	_ =	shalt  }
.Lfunc_end0:
.L_simem_size_0:
called_computation_lowered:
.L_overlay_start_0:
0x88: {  	s0 =	sld [smem:$0x3FD9]  }
0x89: {  	s1 =	sld [smem:$0x3FFE];
	_ =	sdelay $0x3  }
0x8a: {  	s0 =	sadd.s32 s1, s0  }
0x8b: {  	[smem:$0x3FC6] =	sst s0  }
0x8c: {  	_ = 	snop  }
0x8d: {  	(tm) =	ssettm $0x1  }
0x8e: {  	s15 =	sld [smem:$0x3FFB];
	_ =	sdelay $0x3  }
0x8f: {  	_ =	strace s15  }
0x90: {  	s0 =	sld [smem:$0x3FFC];
	_ =	sdelay $0x3  }
0x91: {  	_ =	strace s0  }
0x92: {  	s0 =	sld [smem:$0x3FFD];
	_ =	sdelay $0x3  }
0x93: {  	_ =	strace s0  }
0x94: {  	_ =	strace $0x8FFFFFFF  }
0x95: {  	s16 =	sld [smem:$0x3FDB];
	_ =	sdelay $0x1  }
0x96: {  	s17 =	simm.s32 $_scs_section_size  }
0x97: {  	s2 =	simm.s32 $_size__tile_overlayer_lowered;
	s3 =	simm.s32 $_tile_overlayer_lowered  }
0x98: {  	s20 =	simm.s32 $0x1BFF;
	s19 =	sshll.u32 s3, $0x1;
	s0 =	sadd.s32 s17, s16  }
0x99: {  	s4 =	simm.s32 $0x0;
	s18 =	sshll.u32 s2, $0x1;
	s2 =	sadd.s32 s19, s0  }
0x9a: {  	[timem:s4], [sflag:s20] =	dma.local [hbm:s2], s18  }
0x9b: {  	_ =	swait.ge [sflag:s20], s18  }
0x9c: {  	s1 =	ssub.s32 $0x0, s18;
	[sflag:s20] =	ssyncset.done $0x0  }
0x9d: {  	[sflag:s20] =	ssyncadd.s32 s1;
	_ =	sdelay $0x1  }
0x9e: {  	s21 =	simm.s32 $0x1B8B  }
0x9f: {  	_ =	swait.ge [sflag:s21], $0x1  }
0xa0: {  	[sflag:s21] =	ssyncset.done $0x0  }
0xa1: {  	s23 =	simm.s32 $0x1B8E;
	s22 =	sld [smem:$0x3FFE];
	[sflag:s21] =	ssyncadd.s32 $0xFFFFFFFF  }
0xa2: {  	s24 =	simm.s32 $execute0_lowered;
	[smem:$0x3FD2] =	sst s23  }
0xa3: {  	s2 =	sshll.u32 s24, $0x1;
	_ =	strace $0x80000046;
	[dreg:$0x1] =	wrdreg $0xFFFFFFFF  }
0xa4: {  	s25 =	simm.s32 $_size_execute0_lowered;
	s0 =	sadd.s32 s0, s2;
	[dreg:$0x0] =	wrdreg $0x0  }
0xa5: {  	s2 =	sshll.u32 s25, $0x1;
	[dreg:$0x2] =	wrdreg s0  }
0xa6: {  	[dreg:$0x3] =	wrdreg s2  }
0xa7: {  	[dreg:$0x4] =	wrdreg $0xC0  }
0xa8: {  	_ =	task [dreg:s4], $0x5FFFF  }
0xa9: {  	[dreg:$0x1] =	wrdreg $0xFFFFFFFF  }
0xaa: {  	[dreg:$0x0] =	wrdreg $0x60  }
0xab: {  	[dreg:$0x2] =	wrdreg s22  }
0xac: {  	[dreg:$0x3] =	wrdreg $0x9  }
0xad: {  	_ =	task.clear_ibuf [dreg:s4], $0x4FFFF;
	_ =	strace $0x90000046  }
0xae: {  	s26 =	simm.s32 $0x9;
	_ =	strace $0x80000048  }
0xaf: {  	_ =	swait.ge [sflag:s26], $0x1  }
0xb0: {  	[sflag:s26] =	ssyncadd.s32 $0xFFFFFFFF  }
0xb1: {  	_ =	strace $0x90000048  }
0xb2: {  	_ =	sfence  }
0xb3: {  	s28 =	sld [smem:$0x0];
	_ =	sdelay $0x1  }
0xb4: {  	s29 =	srdreg.scid  }
0xb5: {  	s30 =	sshll.u32 s29, $0xD;
	s31 =	sshrl.u32 s29, $0x2  }
0xb6: {  	s1 =	sand.u32 $0x1, s29;
	s2 =	sand.u32 $0x4000, s30;
	s0 =	sadd.s32 s31, s28  }
0xb7: {  	s1 =	sor.u32 s2, s1;
	s0 =	sshll.u32 s0, $0x11  }
0xb8: {  	s0 =	sor.u32 s0, s1  }
0xb9: {  	s0 =	sadd.s32 $0x8F2B, s0  }
0xba: {  	[sflag:s0] =	ssyncadd.remote.s32 $0x1  }
0xbb: {  	_ =	sfence.sel $0xFFFF  }
0xbc: {  	[dreg:$0x0] =	wrdreg $0xFFFFFFFF;
	(pc) =	sbr.abs _section_cstart, $3  }
0xbd: {  	[dreg:$0x1] =	wrdreg $0xFFFFFFFF  }
0xbe: {  	_ =	task.clear_ibuf [dreg:s4], $0x2FFFF;
	_ =	strace $0x9FFFFFFF  }
0xbf: {  	(tm) =	ssettm $0x7FFFFFFF  }
tec
execute0_lowered:
.L_overlay_start_1:
0x0: {  	(tag) =	ssettag $0x1  }
0x1: {  	s0 =	stileid.u32  }
0x2: {  	s1 =	sshrl.u32 s0, $0x3  }
0x3: {  	s2 =	sshll.u32 s0, $0x7;
	s4 =	smul.u32 $0xA000, s1  }
0x4: {  	s5 =	sand.u32 $0x380, s2  }
0x5: {  	s3 =	rddreg [dreg:$0x0];
	s9 =	simm.s32 $0x0;
	s4 =	sor.u32 s5, s4  }
0x6: {  	s8 =	simm.s32 $0x400;
	[smem:$0x7FF] =	sst s9;
	s4 =	sshrl.u32 s4, $0x3  }
0x7: {  	s28 =	smul.u32 $0xA00, s0;
	s1 =	rddreg [dreg:$0x1];
	s6 =	sadd.s32 s4, s3  }
0x8: {  	_ =	strace $0x80000047;
	s4 =	simm.s32 $0x80;
	s7 =	sadd.s32 $0xA00, s6  }
0x9: {  	[tilespmem:s9], [sflag:$0x2] =	stream.strided.gather [hbm4b:s7+s4], $0x1400, s8, s4, $0x38;
	[tilespmem:$0x8080] =	vst v63  }
0xa: {  	s29 =	simm.s32 $0x1400;
	s5 =	sadd.s32 s28, s3;
	s6 =	sadd.s32 $0xD200, s6  }
0xb: {  	[tilespmem:s29], [sflag:$0x2] =	stream.strided.gather [hbm4b:s6+s4], $0x1400, s8, s4, $0x38;
	[tilespmem:$0x8080] =	vst v63  }
0xc: {  	s30 =	simm.s32 $0x2800;
	s31 =	simm.s32 $0x2;
	s5 =	sadd.s32 $0x3200, s5  }
0xd: {  	[tilespmem:s30], [sflag:$0x1] =	stream.linear.gather [hbm4b:s5+s9], $0x5000, $0x38;
	[tilespmem:$0x8080] =	vst v63  }
0xe: {  	_ =	swait.ge [sflag:s31], $0x1400  }
0xf: {  	[sflag:s31] =	ssyncset.done $0x0  }
0x10: {  	[sflag:s31] =	ssyncadd.s32 $0xFFFFEC00  }
0x11: {  	_ =	swait.ge [sflag:s31], $0x1400  }
0x12: {  	[sflag:s31] =	ssyncset.done $0x0  }
0x13: {  	v0 =	vimm.f32 $-3.000000010e+38;
	[sflag:s31] =	ssyncadd.s32 $0xFFFFEC00  }
0x14: {  	[tilespmem:$0x7980] =	vst v0  }
0x15: {  	s5 =	simm.s32 $0x1480;
	[tilespmem:$0x7990] =	vst v0  }
0x16: {  	v0 =	vld [tilespmem:s5+$0xFFFFFF80]  }
0x17: {  	v1 =	vld [tilespmem:s4+$0xFFFFFF80];
	_ =	sdelay $0x4  }
0x18: {  	v0 =	vsub.f32 v0, v1;
	_ =	sdelay $0x1  }
0x19: {  	v1 =	vld [tilespmem:s4+$0xFFFFFF90];
	[tilespmem:s4+$0xFFFFFF80] =	vst v0  }
0x1a: {  	v2 =	vld [tilespmem:s5+$0xFFFFFF90];
	_ =	sdelay $0x4  }
0x1b: {  	v1 =	vsub.f32 v2, v1;
	_ =	sdelay $0x1  }
0x1c: {  	v2 =	vld [tilespmem:s4+$0xFFFFFFA0];
	[tilespmem:s4+$0xFFFFFF90] =	vst v1  }
0x1d: {  	v3 =	vld [tilespmem:s5+$0xFFFFFFA0];
	_ =	sdelay $0x4  }
0x1e: {  	v2 =	vsub.f32 v3, v2;
	_ =	sdelay $0x1  }
0x1f: {  	v3 =	vld [tilespmem:s4+$0xFFFFFFB0];
	[tilespmem:s4+$0xFFFFFFA0] =	vst v2  }
0x20: {  	v4 =	vld [tilespmem:s5+$0xFFFFFFB0];
	_ =	sdelay $0x4  }
0x21: {  	v3 =	vsub.f32 v4, v3;
	_ =	sdelay $0x1  }
0x22: {  	v43 =	vld [tilespmem:s4+$0xFFFFFFC0];
	[tilespmem:s4+$0xFFFFFFB0] =	vst v3  }
0x23: {  	v5 =	vld [tilespmem:s5+$0xFFFFFFC0];
	_ =	sdelay $0x4  }
0x24: {  	v4 =	vsub.f32 v5, v43;
	_ =	sdelay $0x1  }
0x25: {  	v44 =	vld [tilespmem:s4+$0xFFFFFFD0];
	[tilespmem:s4+$0xFFFFFFC0] =	vst v4  }
0x26: {  	v6 =	vld [tilespmem:s5+$0xFFFFFFD0];
	_ =	sdelay $0x4  }
0x27: {  	v5 =	vsub.f32 v6, v44;
	_ =	sdelay $0x1  }
0x28: {  	v45 =	vld [tilespmem:s4+$0xFFFFFFE0];
	[tilespmem:s4+$0xFFFFFFD0] =	vst v5  }
0x29: {  	v7 =	vld [tilespmem:s5+$0xFFFFFFE0];
	_ =	sdelay $0x4  }
0x2a: {  	v6 =	vsub.f32 v7, v45;
	_ =	sdelay $0x1  }
0x2b: {  	v46 =	vld [tilespmem:s4+$0xFFFFFFF0];
	[tilespmem:s4+$0xFFFFFFE0] =	vst v6  }
0x2c: {  	v8 =	vld [tilespmem:s5+$0xFFFFFFF0];
	_ =	sdelay $0x4  }
0x2d: {  	v7 =	vsub.f32 v8, v46;
	_ =	sdelay $0x1  }
0x2e: {  	v47 =	vld [tilespmem:s4+$0x0];
	[tilespmem:s4+$0xFFFFFFF0] =	vst v7  }
0x2f: {  	v9 =	vld [tilespmem:s5+$0x0];
	_ =	sdelay $0x4  }
0x30: {  	v8 =	vsub.f32 v9, v47;
	_ =	sdelay $0x1  }
0x31: {  	v48 =	vld [tilespmem:s4+$0x10];
	[tilespmem:s4+$0x0] =	vst v8  }
0x32: {  	v10 =	vld [tilespmem:s5+$0x10];
	_ =	sdelay $0x4  }
0x33: {  	v9 =	vsub.f32 v10, v48;
	_ =	sdelay $0x1  }
0x34: {  	v49 =	vld [tilespmem:s4+$0x20];
	[tilespmem:s4+$0x10] =	vst v9  }
0x35: {  	v11 =	vld [tilespmem:s5+$0x20];
	_ =	sdelay $0x4  }
0x36: {  	v10 =	vsub.f32 v11, v49;
	_ =	sdelay $0x1  }
0x37: {  	v50 =	vld [tilespmem:s4+$0x30];
	[tilespmem:s4+$0x20] =	vst v10  }
0x38: {  	v12 =	vld [tilespmem:s5+$0x30];
	_ =	sdelay $0x4  }
0x39: {  	v11 =	vsub.f32 v12, v50;
	_ =	sdelay $0x1  }
0x3a: {  	v51 =	vld [tilespmem:s4+$0x40];
	[tilespmem:s4+$0x30] =	vst v11  }
0x3b: {  	v13 =	vld [tilespmem:s5+$0x40];
	_ =	sdelay $0x4  }
0x3c: {  	v12 =	vsub.f32 v13, v51;
	_ =	sdelay $0x1  }
0x3d: {  	v52 =	vld [tilespmem:s4+$0x50];
	[tilespmem:s4+$0x40] =	vst v12  }
0x3e: {  	v14 =	vld [tilespmem:s5+$0x50];
	_ =	sdelay $0x4  }
0x3f: {  	v13 =	vsub.f32 v14, v52  }
0x40: {  	(xrf0) =	vmax.scan.msk.f32 $0xffff, v0  }
0x41: {  	v0 =	vld [tilespmem:s4+$0x60];
	(xrf0) =	vmax.scan.msk.f32 $0xffff, v1;
	[tilespmem:s4+$0x50] =	vst v13  }
0x42: {  	(xrf0) =	vmax.scan.msk.f32 $0xffff, v2;
	v1 =	vld [tilespmem:s5+$0x60]  }
0x43: {  	(xrf0) =	vmax.scan.msk.f32 $0xffff, v3  }
0x44: {  	(xrf0) =	vmax.scan.msk.f32 $0xffff, v4;
	_ =	sdelay $0x1  }
0x45: {  	v2, _, _ =	vpop (xrf0);
	(xrf0) =	vmax.scan.msk.f32 $0xffff, v5  }
0x46: {  	(xrf0) =	vmax.scan.msk.f32 $0xffff, v6;
	v0 =	vsub.f32 v1, v0;
	v1, _, _ =	vpop (xrf0)  }
0x47: {  	v2 =	vbroadcast v2, $0xF;
	(xrf0) =	vmax.scan.msk.f32 $0xffff, v7;
	v1 =	vbroadcast v1, $0xF;
	v3, _, _ =	vpop (xrf0)  }
0x48: {  	vm1 =	vmmov $0x1;
	(xrf0) =	vmax.scan.msk.f32 $0xffff, v8;
	v3 =	vbroadcast v3, $0xF;
	v53, _, _ =	vpop (xrf0)  }
0x49: {  	vm2 =	vmmov $0x3;
	(xrf0) =	vmax.scan.msk.f32 $0xffff, v9;
	v4 =	vbroadcast v53, $0xF;
	v55, _, _ =	vpop (xrf0);
	v1 =	vsel vm1, v2, v1  }
0x4a: {  	vm3 =	vmmov $0x7;
	v2 =	vbroadcast v55, $0xF;
	v1 =	vsel vm2, v1, v3  }
0x4b: {  	vm4 =	vmmov $0xf;
	v54 =	vld [tilespmem:s4+$0x70];
	[tilespmem:s4+$0x60] =	vst v0;
	(xrf0) =	vmax.scan.msk.f32 $0xffff, v10;
	v57, _, _ =	vpop (xrf0);
	v1 =	vsel vm3, v1, v4  }
0x4c: {  	v56 =	vld [tilespmem:s5+$0x70];
	(xrf0) =	vmax.scan.msk.f32 $0xffff, v11;
	v58, _, _ =	vpop (xrf0);
	v1 =	vsel vm4, v1, v2  }
0x4d: {  	v3 =	vbroadcast v57, $0xF;
	(xrf0) =	vmax.scan.msk.f32 $0xffff, v12;
	v60, _, _ =	vpop (xrf0)  }
0x4e: {  	vm5 =	vmmov $0x1f;
	(xrf0) =	vmax.scan.msk.f32 $0xffff, v13;
	v61, _, _ =	vpop (xrf0)  }
0x4f: {  	v59 =	vbroadcast v58, $0xF;
	(xrf0) =	vmax.scan.msk.f32 $0xffff, v0;
	v0 =	vsel vm5, v1, v3;
	v3 =	vbroadcast v61, $0xF;
	v1, _, _ =	vpop (xrf0)  }
0x50: {  	vm6 =	vmmov $0x3f;
	v2 =	vbroadcast v60, $0xF;
	v1 =	vbroadcast v1, $0xF  }
0x51: {  	vm7 =	vmmov $0x7f;
	v5 =	vsub.f32 v56, v54;
	v0 =	vsel vm6, v0, v59;
	v62, _, _ =	vpop (xrf0)  }
0x52: {  	vm0 =	vmmov $0xff;
	v0 =	vsel vm7, v0, v2;
	v2 =	vbroadcast v62, $0xF;
	v63, _, _ =	vpop (xrf0)  }
0x53: {  	vm8 =	vmmov $0x1ff;
	vm9 =	vmmov $0x3ff;
	v0 =	vsel vm0, v0, v3;
	(xrf0) =	vmax.scan.msk.f32 $0xffff, v5;
	v3, _, _ =	vpop (xrf0)  }
0x54: {  	vm10 =	vmmov $0x7ff;
	v4 =	vbroadcast v63, $0xF;
	v0 =	vsel vm8, v0, v1;
	v1, _, _ =	vpop (xrf0)  }
0x55: {  	v3 =	vbroadcast v3, $0xF;
	v0 =	vsel vm9, v0, v2;
	v1 =	vbroadcast v1, $0xF  }
0x56: {  	vm11 =	vmmov $0xfff;
	v0 =	vsel vm10, v0, v4;
	v2, _, _ =	vpop (xrf0)  }
0x57: {  	vm12 =	vmmov $0x1fff;
	v0 =	vsel vm11, v0, v3;
	v2 =	vbroadcast v2, $0xF  }
0x58: {  	vm13 =	vmmov $0x3fff;
	v0 =	vsel vm12, v0, v1  }
0x59: {  	vm14 =	vmmov $0x7fff;
	v0 =	vsel vm13, v0, v2;
	v1, _, _ =	vpop (xrf0)  }
0x5a: {  	v0 =	vsel vm14, v0, v1  }
0x5b: {  	(xrf0) =	vmax.scan.msk.f32 $0xffff, v0;
	_ =	sdelay $0x2  }
0x5c: {  	s6 =	simm.s32 $0x7800;
	[tilespmem:s4+$0x70] =	vst v5  }
0x5d: {  	[tilespmem:s6+$0x0] =	vst v0;
	v0 =	vmov s9;
	_ =	sdelay $0x1  }
0x5e: {  	v1, _, _ =	vpop (xrf0)  }
0x5f: {  	s3 =	sadd.s32 $0xFA00, s3;
	s7 =	simm.s32 $0x7980;
	s8 =	simm.s32 $0x1;
	v1 =	vbroadcast v1, $0xF  }
.LBB2_1:
0x60: {  	_ = 	snop  }
0x61: {  	s6 =	sadd.s32 $0x10, s6;
	s4 =	sadd.s32 $0x100, s4;
	s5 =	sadd.s32 $0x100, s5;
	[tilespmem:v0+s7+$0x0] =	vst.idx.msk $0x1, v1  }
0x62: {  	p0 =	sne.s32 s8, $0x13;
	s9 =	smov.u32 s8;
	s8 =	sadd.s32 $0x1, s8;
	v0 =	vld [tilespmem:s5+$0xFFFFFF80]  }
0x63: {  	v1 =	vld [tilespmem:s4+$0xFFFFFF80];
	_ =	sdelay $0x4  }
0x64: {  	v0 =	vsub.f32 v0, v1;
	_ =	sdelay $0x1  }
0x65: {  	[tilespmem:s4+$0xFFFFFF80] =	vst v0;
	v1 =	vld [tilespmem:s4+$0xFFFFFF90];
	(xrf0) =	vmax.scan.msk.f32 $0xffff, v0  }
0x66: {  	v0 =	vld [tilespmem:s5+$0xFFFFFF90];
	_ =	sdelay $0x4  }
0x67: {  	v1 =	vsub.f32 v0, v1;
	v0, _, _ =	vpop (xrf0);
	_ =	sdelay $0x1  }
0x68: {  	[tilespmem:s4+$0xFFFFFF90] =	vst v1;
	v2 =	vld [tilespmem:s4+$0xFFFFFFA0];
	(xrf0) =	vmax.scan.msk.f32 $0xffff, v1  }
0x69: {  	v1 =	vld [tilespmem:s5+$0xFFFFFFA0];
	_ =	sdelay $0x4  }
0x6a: {  	v2 =	vsub.f32 v1, v2;
	v1, _, _ =	vpop (xrf0)  }
0x6b: {  	v1 =	vbroadcast v1, $0xF  }
0x6c: {  	[tilespmem:s4+$0xFFFFFFA0] =	vst v2;
	v3 =	vld [tilespmem:s4+$0xFFFFFFB0];
	(xrf0) =	vmax.scan.msk.f32 $0xffff, v2  }
0x6d: {  	v2 =	vld [tilespmem:s5+$0xFFFFFFB0];
	_ =	sdelay $0x4  }
0x6e: {  	v3 =	vsub.f32 v2, v3;
	v2, _, _ =	vpop (xrf0)  }
0x6f: {  	v2 =	vbroadcast v2, $0xF  }
0x70: {  	[tilespmem:s4+$0xFFFFFFB0] =	vst v3;
	v4 =	vld [tilespmem:s4+$0xFFFFFFC0];
	(xrf0) =	vmax.scan.msk.f32 $0xffff, v3  }
0x71: {  	v3 =	vld [tilespmem:s5+$0xFFFFFFC0];
	_ =	sdelay $0x4  }
0x72: {  	v4 =	vsub.f32 v3, v4;
	v3, _, _ =	vpop (xrf0)  }
0x73: {  	v3 =	vbroadcast v3, $0xF  }
0x74: {  	[tilespmem:s4+$0xFFFFFFC0] =	vst v4;
	v5 =	vld [tilespmem:s4+$0xFFFFFFD0];
	(xrf0) =	vmax.scan.msk.f32 $0xffff, v4  }
0x75: {  	v4 =	vld [tilespmem:s5+$0xFFFFFFD0];
	_ =	sdelay $0x4  }
0x76: {  	v5 =	vsub.f32 v4, v5;
	v4, _, _ =	vpop (xrf0)  }
0x77: {  	v4 =	vbroadcast v4, $0xF  }
0x78: {  	[tilespmem:s4+$0xFFFFFFD0] =	vst v5;
	v6 =	vld [tilespmem:s4+$0xFFFFFFE0];
	(xrf0) =	vmax.scan.msk.f32 $0xffff, v5  }
0x79: {  	v5 =	vld [tilespmem:s5+$0xFFFFFFE0];
	_ =	sdelay $0x4  }
0x7a: {  	v6 =	vsub.f32 v5, v6;
	v5, _, _ =	vpop (xrf0)  }
0x7b: {  	v5 =	vbroadcast v5, $0xF  }
0x7c: {  	[tilespmem:s4+$0xFFFFFFE0] =	vst v6;
	v7 =	vld [tilespmem:s4+$0xFFFFFFF0];
	(xrf0) =	vmax.scan.msk.f32 $0xffff, v6  }
0x7d: {  	v6 =	vld [tilespmem:s5+$0xFFFFFFF0];
	_ =	sdelay $0x4  }
0x7e: {  	v6 =	vsub.f32 v6, v7;
	v7, _, _ =	vpop (xrf0)  }
0x7f: {  	v7 =	vbroadcast v7, $0xF  }
0x80: {  	[tilespmem:s4+$0xFFFFFFF0] =	vst v6;
	v8 =	vld [tilespmem:s4+$0x0];
	(xrf0) =	vmax.scan.msk.f32 $0xffff, v6  }
0x81: {  	v6 =	vld [tilespmem:s5+$0x0];
	_ =	sdelay $0x4  }
0x82: {  	v6 =	vsub.f32 v6, v8;
	v8, _, _ =	vpop (xrf0)  }
0x83: {  	v8 =	vbroadcast v8, $0xF  }
0x84: {  	[tilespmem:s4+$0x0] =	vst v6;
	v9 =	vld [tilespmem:s4+$0x10];
	(xrf0) =	vmax.scan.msk.f32 $0xffff, v6  }
0x85: {  	v6 =	vld [tilespmem:s5+$0x10];
	_ =	sdelay $0x4  }
0x86: {  	v6 =	vsub.f32 v6, v9;
	v9, _, _ =	vpop (xrf0)  }
0x87: {  	v9 =	vbroadcast v9, $0xF  }
0x88: {  	[tilespmem:s4+$0x10] =	vst v6;
	v10 =	vld [tilespmem:s4+$0x20];
	(xrf0) =	vmax.scan.msk.f32 $0xffff, v6  }
0x89: {  	v6 =	vld [tilespmem:s5+$0x20];
	_ =	sdelay $0x4  }
0x8a: {  	v6 =	vsub.f32 v6, v10;
	v10, _, _ =	vpop (xrf0)  }
0x8b: {  	v10 =	vbroadcast v10, $0xF  }
0x8c: {  	[tilespmem:s4+$0x20] =	vst v6;
	v11 =	vld [tilespmem:s4+$0x30];
	(xrf0) =	vmax.scan.msk.f32 $0xffff, v6  }
0x8d: {  	v6 =	vld [tilespmem:s5+$0x30];
	_ =	sdelay $0x4  }
0x8e: {  	v6 =	vsub.f32 v6, v11;
	v11, _, _ =	vpop (xrf0)  }
0x8f: {  	v11 =	vbroadcast v11, $0xF  }
0x90: {  	[tilespmem:s4+$0x30] =	vst v6;
	v12 =	vld [tilespmem:s4+$0x40];
	(xrf0) =	vmax.scan.msk.f32 $0xffff, v6  }
0x91: {  	v6 =	vld [tilespmem:s5+$0x40];
	_ =	sdelay $0x4  }
0x92: {  	v6 =	vsub.f32 v6, v12;
	v12, _, _ =	vpop (xrf0)  }
0x93: {  	v12 =	vbroadcast v12, $0xF  }
0x94: {  	[tilespmem:s4+$0x40] =	vst v6;
	v13 =	vld [tilespmem:s4+$0x50];
	(xrf0) =	vmax.scan.msk.f32 $0xffff, v6  }
0x95: {  	v6 =	vld [tilespmem:s5+$0x50];
	_ =	sdelay $0x4  }
0x96: {  	v6 =	vsub.f32 v6, v13;
	v13, _, _ =	vpop (xrf0)  }
0x97: {  	v13 =	vbroadcast v13, $0xF  }
0x98: {  	[tilespmem:s4+$0x50] =	vst v6;
	v14 =	vld [tilespmem:s4+$0x60];
	(xrf0) =	vmax.scan.msk.f32 $0xffff, v6  }
0x99: {  	v6 =	vld [tilespmem:s5+$0x60];
	_ =	sdelay $0x4  }
0x9a: {  	v6 =	vsub.f32 v6, v14;
	v14, _, _ =	vpop (xrf0)  }
0x9b: {  	v0 =	vbroadcast v0, $0xF;
	v14 =	vbroadcast v14, $0xF  }
0x9c: {  	[tilespmem:s4+$0x60] =	vst v6;
	v15 =	vld [tilespmem:s4+$0x70];
	(xrf0) =	vmax.scan.msk.f32 $0xffff, v6  }
0x9d: {  	v0 =	vsel vm1, v0, v1;
	v6 =	vld [tilespmem:s5+$0x70]  }
0x9e: {  	v0 =	vsel vm2, v0, v2  }
0x9f: {  	v0 =	vsel vm3, v0, v3  }
0xa0: {  	v0 =	vsel vm4, v0, v4  }
0xa1: {  	v0 =	vsel vm5, v0, v5  }
0xa2: {  	v0 =	vsel vm6, v0, v7;
	v1 =	vsub.f32 v6, v15;
	v2, _, _ =	vpop (xrf0)  }
0xa3: {  	v0 =	vsel vm7, v0, v8;
	v2 =	vbroadcast v2, $0xF  }
0xa4: {  	v0 =	vsel vm0, v0, v9;
	[tilespmem:s4+$0x70] =	vst v1;
	(xrf0) =	vmax.scan.msk.f32 $0xffff, v1  }
0xa5: {  	v0 =	vsel vm8, v0, v10  }
0xa6: {  	v0 =	vsel vm9, v0, v11  }
0xa7: {  	v0 =	vsel vm10, v0, v12  }
0xa8: {  	v0 =	vsel vm11, v0, v13  }
0xa9: {  	v0 =	vsel vm12, v0, v14  }
0xaa: {  	v0 =	vsel vm13, v0, v2;
	v1, _, _ =	vpop (xrf0)  }
0xab: {  	v0 =	vsel vm14, v0, v1  }
0xac: {  	[tilespmem:s6+$0x0] =	vst v0;
	(xrf0) =	vmax.scan.msk.f32 $0xffff, v0;
	_ =	sdelay $0x2  }
.Ltmp0:
0xad: {  	(pc) =	sbr.rel @p0 .LBB2_1-.Ltmp0, $3  }
0xae: {  	v0 =	vmov s9;
	_ =	sdelay $0x1  }
0xaf: {  	v1, _, _ =	vpop (xrf0)  }
0xb0: {  	v1 =	vbroadcast v1, $0xF  }
0xb1: {  	_ =	sdelay $0x3  }
0xb2: {  	v2 =	vimm.s32 $0x0;
	[tilespmem:v0+s7+$0x0] =	vst.idx.msk $0x1, v1  }
0xb3: {  	[tilespmem:$0x7A10] =	vst v2;
	v0 =	vld [tilespmem:$0x7980]  }
0xb4: {  	[tilespmem:$0x7A00] =	vst v2;
	v2 =	vld [tilespmem:$0x7990];
	_ =	sdelay $0x2  }
0xb5: {  	s4 =	simm.s32 $0x0;
	v1 =	vlaneseq.u32  }
0xb6: {  	s5 =	simm.s32 $0x7800;
	s6 =	simm.s32 $0x7A00;
	v3 =	vimm.f32 $-3.000000010e+38;
	s7 =	simm.s32 $0x0;
	v4 =	vor.u32 $0x10, v1  }
.LBB2_3:
0xb7: {  	v5 =	vmax.f32 v0, v2  }
0xb8: {  	(xrf0) =	vmax.scan.msk.f32 $0xffff, v5;
	_ =	sdelay $0x5  }
0xb9: {  	v5, _, _ =	vpop (xrf0)  }
0xba: {  	v5 =	vbroadcast v5, $0xF;
	_ =	sdelay $0x1  }
0xbb: {  	vm1 =	veq.f32 v0, v5;
	vm2 =	veq.f32 v2, v5  }
0xbc: {  	v6 =	vmctz.xlane vm1;
	v7 =	vmctz.xlane vm2;
	_ =	sdelay $0x1  }
0xbd: {  	vm1 =	vlt.s32 v6, $0x10;
	v7 =	vadd.s32 $0x10, v7  }
0xbe: {  	v6 =	vsel vm1, v6, v7  }
0xbf: {  	v7 =	vshll.u32 v6, $0x4  }
0xc0: {  	v8 =	vor.u32 v1, v7;
	_ =	sdelay $0x4  }
0xc1: {  	v8 =	vld.idx.msk [tilespmem:v8+s5+$0x0], $0xffff;
	_ =	sdelay $0x4  }
0xc2: {  	vm2 =	veq.f32 v8, v5  }
0xc3: {  	v9 =	vmctz.xlane vm2;
	_ =	sdelay $0x1  }
0xc4: {  	v7 =	vadd.s32 v9, v7  }
0xc5: {  	v10 =	vshll.u32 v7, $0x4  }
0xc6: {  	v11 =	vor.u32 v1, v10;
	_ =	sdelay $0x4  }
0xc7: {  	v11 =	vld.idx.msk [tilespmem:v11+s4+$0x0], $0xffff;
	_ =	sdelay $0x4  }
0xc8: {  	vm2 =	veq.f32 v11, v5  }
0xc9: {  	v5 =	vmctz.xlane vm2;
	_ =	sdelay $0x1  }
0xca: {  	vm2 =	veq.s32 v5, v1  }
0xcb: {  	v11 =	vsel vm2, $0xFF61B1E6, v11;
	vm2 =	veq.s32 v9, v1  }
0xcc: {  	(xrf0) =	vmax.scan.msk.f32 $0xffff, v11;
	v8 =	vsel vm2, $0xFF61B1E6, v8  }
0xcd: {  	(xrf0) =	vmax.scan.msk.f32 $0xffff, v8;
	_ =	sdelay $0x4  }
0xce: {  	v61, _, _ =	vpop (xrf0)  }
0xcf: {  	(v2sf) =	vpush v61, $0xF;
	v62, _, _ =	vpop (xrf0)  }
0xd0: {  	(v2sf) =	vpush v62, $0xF;
	_ =	sdelay $0x9  }
0xd1: {  	v63 =	vmov s7  }
0xd2: {  	v5 =	vadd.s32 v5, v10  }
0xd3: {  	p0 =	sne.s32 s7, $0x1B  }
.Ltmp1:
0xd4: {  	_ = 	snop;
	(pc) =	sbr.rel @p0 .LBB2_3-.Ltmp1, $4  }
0xd5: {  	s8 =	spop (v2sf)  }
0xd6: {  	vm3 =	vne.s32 v6, v4;
	[tilespmem:v63+s6+$0x0] =	vst.idx.msk $0x1, v5;
	vm2 =	veq.s32 v6, v1;
	v8 =	vbroadcast v61, $0xF;
	s9 =	spop (v2sf)  }
0xd7: {  	vm2 =	vmand vm1, vm2;
	vm1 =	vmor vm1, vm3;
	[tilespmem:v5+s4+$0x0] =	vst.idx.msk $0x1, v3;
	s8 =	smax.f32 s9, s8  }
0xd8: {  	s7 =	sadd.s32 $0x1, s7;
	[tilespmem:v7+s5+$0x0] =	vst.idx.msk $0x1, v8;
	v0 =	vsel vm2, s8, v0;
	v2 =	vnsel vm1, s8, v2  }
0xd9: {  	s4 =	simm.s32 $0x1  }
0xda: {  	_ =	swait.ge [sflag:s4], $0x5000  }
0xdb: {  	[sflag:s4] =	ssyncset.done $0x0  }
0xdc: {  	[sflag:s4] =	ssyncadd.s32 $0xFFFFB000  }
0xdd: {  	v0 =	vld [tilespmem:$0x7A00]  }
0xde: {  	v1 =	vld [tilespmem:$0x7A10];
	_ =	sdelay $0x3  }
0xdf: {  	v2 =	vshll.u32 v0, $0x2  }
0xe0: {  	v0 =	vand.u32 $0x7F, v0;
	v3 =	vshll.u32 v1, $0x2;
	v2 =	vand.u32 $0xFFFFFE00, v2  }
0xe1: {  	v56 =	vand.u32 $0x7F, v1;
	v57 =	vand.u32 $0xFFFFFE00, v3;
	v6 =	vor.u32 v0, v2  }
0xe2: {  	v7 =	vor.u32 v56, v57;
	_ =	sdelay $0x2  }
0xe3: {  	s29 =	simm.s32 $0x2800  }
0xe4: {  	v1 =	vld.idx.msk [tilespmem:v6+s29+$0x0], $0xffff  }
0xe5: {  	v0 =	vld.idx.msk [tilespmem:v7+s29+$0x0], $0xffff  }
0xe6: {  	v2 =	vor.u32 $0x80, v6  }
0xe7: {  	v4 =	vor.u32 $0x80, v7;
	_ =	sdelay $0x1  }
0xe8: {  	[tilespmem:$0x7A80] =	vst v1  }
0xe9: {  	[tilespmem:$0x7A90] =	vst v0  }
0xea: {  	v3 =	vld.idx.msk [tilespmem:v2+s29+$0x0], $0xffff  }
0xeb: {  	v2 =	vld.idx.msk [tilespmem:v4+s29+$0x0], $0xffff  }
0xec: {  	v58 =	vor.u32 $0x100, v6  }
0xed: {  	v8 =	vor.u32 $0x100, v7;
	_ =	sdelay $0x1  }
0xee: {  	[tilespmem:$0x7B00] =	vst v3  }
0xef: {  	[tilespmem:$0x7B10] =	vst v2  }
0xf0: {  	v5 =	vld.idx.msk [tilespmem:v58+s29+$0x0], $0xffff  }
0xf1: {  	v4 =	vld.idx.msk [tilespmem:v8+s29+$0x0], $0xffff  }
0xf2: {  	v6 =	vor.u32 $0x180, v6  }
0xf3: {  	v7 =	vor.u32 $0x180, v7;
	_ =	sdelay $0x1  }
0xf4: {  	vm1 =	vmmov $0xffff;
	v59 =	vmctz.xlane vm0;
	[tilespmem:$0x7B80] =	vst v5  }
0xf5: {  	v9 =	vmctz.xlane vm1;
	[tilespmem:$0x7B90] =	vst v4  }
0xf6: {  	vm6 =	vlt.s32 v59, $0x10;
	v8 =	vadd.s32 $0x10, v59;
	v6 =	vld.idx.msk [tilespmem:v6+s29+$0x0], $0xffff  }
0xf7: {  	vm2 =	vlt.s32 v9, $0x10;
	v8 =	vnsel vm6, $0x0, v8;
	v7 =	vld.idx.msk [tilespmem:v7+s29+$0x0], $0xffff  }
0xf8: {  	v8 =	vsel vm2, v9, v8  }
0xf9: {  	v9 =	vadd.s32 $0x80, v8  }
0xfa: {  	v10 =	vadd.s32 $0x100, v8  }
0xfb: {  	v11 =	vadd.s32 $0x180, v8;
	[tilespmem:$0x7C00] =	vst v6  }
0xfc: {  	s4 =	simm.s32 $0x7A80;
	[tilespmem:$0x7C10] =	vst v7  }
0xfd: {  	v12 =	vld.idx.msk [tilespmem:v8+s4+$0x0], $0xffff  }
0xfe: {  	v9 =	vld.idx.msk [tilespmem:v9+s4+$0x0], $0xffff  }
0xff: {  	v10 =	vld.idx.msk [tilespmem:v10+s4+$0x0], $0xffff  }
0x100: {  	v11 =	vld.idx.msk [tilespmem:v11+s4+$0x0], $0xffff;
	_ =	sdelay $0x2  }
0x101: {  	v60 =	vsub.f32 v5, v1;
	v13 =	vsub.f32 v6, v3  }
0x102: {  	v14 =	vsub.f32 v4, v0;
	v61 =	vsub.f32 v7, v2  }
0x103: {  	v8 =	vmul.f32 v13, v60;
	v15 =	vsub.f32 v10, v12;
	v16 =	vsub.f32 v11, v9  }
0x104: {  	v17 =	vmin.f32 v10, v5;
	v18 =	vmax.f32 v12, v1;
	v62 =	vmin.f32 v11, v6  }
0x105: {  	v63 =	vmax.f32 v9, v3;
	v10 =	vmin.f32 v10, v4;
	v12 =	vmax.f32 v12, v0  }
0x106: {  	v17 =	vsub.f32 v17, v18;
	v15 =	vmul.f32 v16, v15;
	v16 =	vsub.f32 v62, v63  }
0x107: {  	v11 =	vmin.f32 v11, v7;
	v9 =	vmax.f32 v9, v2;
	v10 =	vsub.f32 v10, v12  }
0x108: {  	v11 =	vsub.f32 v11, v9;
	v17 =	vmax.f32 v17, $0.0e+00;
	v16 =	vmax.f32 v16, $0.0e+00  }
0x109: {  	v9 =	vmul.f32 v61, v14;
	v19 =	vadd.f32 v15, v8;
	v18 =	vmul.f32 v16, v17  }
0x10a: {  	v10 =	vmax.f32 v10, $0.0e+00;
	v11 =	vmax.f32 v11, $0.0e+00  }
0x10b: {  	v10 =	vmul.f32 v11, v10;
	v20 =	vadd.f32 v15, v9;
	v13 =	vsub.f32 v19, v18;
	_ =	sdelay $0x1  }
0x10c: {  	v11 =	vsub.f32 v20, v10;
	(erf) = vrcp.f32 v13;
	_ =	sdelay $0x1  }
0x10d: {  	(erf) = vrcp.f32 v11;
	_ =	sdelay $0x6  }
0x10e: {  	v21 =	vpop (erf)  }
0x10f: {  	v11 =	vmul.f32 v21, v18  }
0x110: {  	v22 =	vpop (erf)  }
0x111: {  	v12 =	vmul.f32 v22, v10;
	vm7 =	vge.f32 v11, $5.000000000e-01  }
0x112: {  	v23 =	vnsel vm7, $0x7F61B1E6, v1  }
0x113: {  	vm8 =	vge.f32 v12, $5.000000000e-01;
	(xrf0) =	vmin.scan.msk.f32 $0xffff, v23  }
0x114: {  	vm2 =	vmand vm8, vm0  }
0x115: {  	v24 =	vnsel vm2, $0x7F61B1E6, v0  }
0x116: {  	v25 =	vnsel vm7, $0x7F61B1E6, v3;
	(xrf0) =	vmin.scan.msk.f32 $0xffff, v24  }
0x117: {  	v26 =	vnsel vm2, $0x7F61B1E6, v2;
	(xrf0) =	vmin.scan.msk.f32 $0xffff, v25  }
0x118: {  	v27 =	vnsel vm7, $0xFF61B1E6, v5;
	(xrf0) =	vmin.scan.msk.f32 $0xffff, v26  }
0x119: {  	v29 =	vnsel vm2, $0xFF61B1E6, v4;
	v28, _, _ =	vpop (xrf0);
	(xrf0) =	vmax.scan.msk.f32 $0xffff, v27  }
0x11a: {  	vm9 =	vcmask $0x1F00;
	v10 =	vimm.f32 $0.0e+00;
	v30 =	vnsel vm7, $0xFF61B1E6, v6;
	(xrf0) =	vmax.scan.msk.f32 $0xffff, v29  }
0x11b: {  	vm3 =	vlt.f32 v11, $5.000000000e-01;
	v34 =	vsel vm9, $0x3F800000, v10;
	v31 =	vnsel vm2, $0xFF61B1E6, v7;
	(xrf0) =	vmax.scan.msk.f32 $0xffff, v30  }
0x11c: {  	vm4 =	vlt.f32 v12, $5.000000000e-01;
	v33 =	vsel vm3, $0x3F800000, v10;
	(v2sf) =	vpush v28, $0xF;
	v32, _, _ =	vpop (xrf0);
	(xrf0) =	vmax.scan.msk.f32 $0xffff, v31  }
0x11d: {  	v36 =	vnsel vm4, $0x0, v34;
	(v2sf) =	vpush v32, $0xF;
	v35, _, _ =	vpop (xrf0);
	(xrf0) =	vmax.scan.msk.f32 $0xffff, v33  }
0x11e: {  	(v2sf) =	vpush v35, $0xF;
	v37, _, _ =	vpop (xrf0);
	(xrf0) =	vmax.scan.msk.f32 $0xffff, v36  }
0x11f: {  	(v2sf) =	vpush v37, $0xF;
	v38, _, _ =	vpop (xrf0)  }
0x120: {  	(v2sf) =	vpush v38, $0xF;
	v39, _, _ =	vpop (xrf0)  }
0x121: {  	(v2sf) =	vpush v39, $0xF;
	v40, _, _ =	vpop (xrf0)  }
0x122: {  	(v2sf) =	vpush v40, $0xF;
	v41, _, _ =	vpop (xrf0)  }
0x123: {  	(v2sf) =	vpush v41, $0xF;
	v42, _, _ =	vpop (xrf0)  }
0x124: {  	(v2sf) =	vpush v42, $0xF;
	v43, _, _ =	vpop (xrf0)  }
0x125: {  	(v2sf) =	vpush v43, $0xF;
	_ =	sdelay $0x5  }
0x126: {  	s5 =	spop (v2sf)  }
0x127: {  	s6 =	spop (v2sf)  }
0x128: {  	s7 =	spop (v2sf)  }
0x129: {  	s8 =	spop (v2sf)  }
0x12a: {  	s9 =	spop (v2sf)  }
0x12b: {  	s10 =	spop (v2sf)  }
0x12c: {  	s11 =	spop (v2sf)  }
0x12d: {  	s12 =	spop (v2sf)  }
0x12e: {  	s13 =	spop (v2sf)  }
0x12f: {  	s14 =	spop (v2sf)  }
0x130: {  	p0 =	sgt.f32 s13, $0.0e+00;
	p1 =	sgt.f32 s14, $0.0e+00  }
0x131: {  	vm1 =	vmxor vm9, vm9  }
0x132: {  	v11 =	vimm.s32 $0x0;
	vm2 =	vmmov vm1;
	p0 =	por p0, p1  }
0x133: {  	v44 =	vimm.s32 $0x2;
	v45 =	vimm.s32 $0x1;
	vm2 =	vmneg @p0 vm2  }
0x134: {  	v49 =	vimm.s32 $0x3;
	v50 =	vimm.s32 $0x18;
	vm4 =	vmand vm4, vm2  }
0x135: {  	v52 =	vimm.s32 $0x118;
	v54 =	vimm.s32 $0x198;
	s5 =	smin.f32 s5, s6;
	vm10 =	vmand vm4, vm0  }
0x136: {  	v46 =	vmov s5;
	s5 =	simm.s32 $0x7C80;
	s30 =	smin.f32 s7, s8;
	vm3 =	vmand vm3, vm2;
	v19 =	vmctz.xlane vm10  }
0x137: {  	v20 =	vimm.s32 $0x98;
	[tilespmem:v11+s5+$0x0] =	vst.idx.msk $0x1, v46;
	v47 =	vmov s30;
	s31 =	smax.f32 s9, s10;
	v21 =	vmctz.xlane vm3  }
0x138: {  	[tilespmem:v45+s5+$0x0] =	vst.idx.msk $0x1, v47;
	v48 =	vmov s31;
	s8 =	smax.f32 s11, s12;
	vm11 =	vlt.s32 v19, $0x10;
	v53 =	vadd.s32 $0x10, v19  }
0x139: {  	[tilespmem:v44+s5+$0x0] =	vst.idx.msk $0x1, v48;
	v51 =	vmov s8;
	vm5 =	vlt.s32 v21, $0x10;
	v15 =	vnsel vm11, $0x0, v53  }
0x13a: {  	[tilespmem:v49+s5+$0x0] =	vst.idx.msk $0x1, v51;
	v55 =	vsel vm5, v21, v15  }
0x13b: {  	v56 =	vld.idx.msk [tilespmem:v50+s4+$0x0], $0xffff;
	v57 =	vadd.s32 $0x80, v55  }
0x13c: {  	v17 =	vld.idx.msk [tilespmem:v20+s4+$0x0], $0xffff;
	v58 =	vadd.s32 $0x100, v55  }
0x13d: {  	v13 =	vld.idx.msk [tilespmem:v52+s4+$0x0], $0xffff;
	v59 =	vadd.s32 $0x180, v55  }
0x13e: {  	v12 =	vld.idx.msk [tilespmem:v54+s4+$0x0], $0xffff  }
0x13f: {  	v14 =	vld.idx.msk [tilespmem:v55+s4+$0x0], $0xffff  }
0x140: {  	v16 =	vld.idx.msk [tilespmem:v57+s4+$0x0], $0xffff  }
0x141: {  	v18 =	vld.idx.msk [tilespmem:v58+s4+$0x0], $0xffff  }
0x142: {  	v19 =	vld.idx.msk [tilespmem:v59+s4+$0x0], $0xffff;
	_ =	sdelay $0x3  }
0x143: {  	v14 =	vpsel p0, v14, v56;
	v18 =	vpsel p0, v18, v13  }
0x144: {  	v16 =	vpsel p0, v16, v17;
	v19 =	vpsel p0, v19, v12;
	v23 =	vmax.f32 v14, v1  }
0x145: {  	v60 =	vsub.f32 v18, v14;
	v61 =	vsub.f32 v19, v16;
	v22 =	vmin.f32 v18, v5  }
0x146: {  	v62 =	vmin.f32 v19, v6;
	v63 =	vmax.f32 v16, v3;
	v18 =	vmin.f32 v18, v4  }
0x147: {  	v14 =	vmax.f32 v14, v0;
	v19 =	vmin.f32 v19, v7;
	v22 =	vsub.f32 v22, v23  }
0x148: {  	v16 =	vmax.f32 v16, v2;
	v21 =	vsub.f32 v62, v63;
	v14 =	vsub.f32 v18, v14  }
0x149: {  	v16 =	vsub.f32 v19, v16;
	v20 =	vmul.f32 v61, v60  }
0x14a: {  	v22 =	vmax.f32 v22, $0.0e+00;
	v21 =	vmax.f32 v21, $0.0e+00;
	v14 =	vmax.f32 v14, $0.0e+00  }
0x14b: {  	v16 =	vmax.f32 v16, $0.0e+00;
	v21 =	vmul.f32 v21, v22;
	v22 =	vadd.f32 v20, v8  }
0x14c: {  	v14 =	vmul.f32 v16, v14;
	v23 =	vadd.f32 v20, v9  }
0x14d: {  	v19 =	vsub.f32 v22, v21  }
0x14e: {  	v16 =	vsub.f32 v23, v14  }
0x14f: {  	(erf) = vrcp.f32 v19  }
0x150: {  	(erf) = vrcp.f32 v16;
	_ =	sdelay $0x7  }
0x151: {  	v24 =	vpop (erf)  }
0x152: {  	v16 =	vmul.f32 v24, v21;
	v25 =	vpop (erf)  }
0x153: {  	v14 =	vmul.f32 v25, v14  }
0x154: {  	vm12 =	vge.f32 v16, $5.000000000e-01  }
0x155: {  	vm4 =	vmand vm3, vm12;
	vm13 =	vge.f32 v14, $5.000000000e-01  }
0x156: {  	vm5 =	vmand vm10, vm13;
	v26 =	vnsel vm4, $0x7F61B1E6, v1  }
0x157: {  	(xrf0) =	vmin.scan.msk.f32 $0xffff, v26;
	v27 =	vnsel vm5, $0x7F61B1E6, v0  }
0x158: {  	v28 =	vnsel vm4, $0x7F61B1E6, v3;
	(xrf0) =	vmin.scan.msk.f32 $0xffff, v27  }
0x159: {  	v29 =	vnsel vm5, $0x7F61B1E6, v2;
	(xrf0) =	vmin.scan.msk.f32 $0xffff, v28  }
0x15a: {  	v30 =	vnsel vm4, $0xFF61B1E6, v5;
	(xrf0) =	vmin.scan.msk.f32 $0xffff, v29  }
0x15b: {  	v31 =	vnsel vm5, $0xFF61B1E6, v4;
	(xrf0) =	vmax.scan.msk.f32 $0xffff, v30  }
0x15c: {  	vm14 =	vlt.f32 v16, $5.000000000e-01;
	v32 =	vnsel vm4, $0xFF61B1E6, v6;
	(xrf0) =	vmax.scan.msk.f32 $0xffff, v31  }
0x15d: {  	vm3 =	vmand vm3, vm14;
	vm15 =	vlt.f32 v14, $5.000000000e-01;
	v34 =	vnsel vm5, $0xFF61B1E6, v7;
	v33, _, _ =	vpop (xrf0);
	(xrf0) =	vmax.scan.msk.f32 $0xffff, v32  }
0x15e: {  	vm4 =	vmand vm10, vm15;
	v36 =	vsel vm3, $0x3F800000, v10;
	(v2sf) =	vpush v33, $0xF;
	v35, _, _ =	vpop (xrf0);
	(xrf0) =	vmax.scan.msk.f32 $0xffff, v34  }
0x15f: {  	v38 =	vsel vm4, $0x3F800000, v10;
	(v2sf) =	vpush v35, $0xF;
	v37, _, _ =	vpop (xrf0);
	(xrf0) =	vmax.scan.msk.f32 $0xffff, v36  }
0x160: {  	(v2sf) =	vpush v37, $0xF;
	v39, _, _ =	vpop (xrf0);
	(xrf0) =	vmax.scan.msk.f32 $0xffff, v38  }
0x161: {  	(v2sf) =	vpush v39, $0xF;
	v40, _, _ =	vpop (xrf0)  }
0x162: {  	(v2sf) =	vpush v40, $0xF;
	v41, _, _ =	vpop (xrf0)  }
0x163: {  	(v2sf) =	vpush v41, $0xF;
	v42, _, _ =	vpop (xrf0)  }
0x164: {  	(v2sf) =	vpush v42, $0xF;
	v43, _, _ =	vpop (xrf0)  }
0x165: {  	(v2sf) =	vpush v43, $0xF;
	v44, _, _ =	vpop (xrf0)  }
0x166: {  	(v2sf) =	vpush v44, $0xF;
	v45, _, _ =	vpop (xrf0)  }
0x167: {  	(v2sf) =	vpush v45, $0xF;
	_ =	sdelay $0x5  }
0x168: {  	s9 =	spop (v2sf)  }
0x169: {  	s10 =	spop (v2sf)  }
0x16a: {  	s11 =	spop (v2sf)  }
0x16b: {  	s12 =	spop (v2sf)  }
0x16c: {  	s13 =	spop (v2sf)  }
0x16d: {  	s16 =	spop (v2sf)  }
0x16e: {  	s17 =	spop (v2sf)  }
0x16f: {  	s18 =	spop (v2sf)  }
0x170: {  	s19 =	spop (v2sf)  }
0x171: {  	s15 =	spop (v2sf)  }
0x172: {  	p4 =	sgt.f32 s19, $0.0e+00;
	p2 =	sgt.f32 s15, $0.0e+00  }
0x173: {  	_ = 	snop  }
0x174: {  	vm0 =	vmmov vm1;
	p1 =	por p4, p2  }
0x175: {  	vm0 =	vmneg @p1 vm0  }
0x176: {  	vm0 =	vmneg vm0  }
0x177: {  	vm0 =	vmand vm2, vm0  }
0x178: {  	v46 =	vsel vm0, $0x1, v11  }
0x179: {  	v14 =	vbroadcast v46, $0x0  }
0x17a: {  	v47 =	vimm.s32 $0x80;
	v50 =	vimm.s32 $0x81  }
0x17b: {  	v52 =	vimm.s32 $0x82;
	v54 =	vimm.s32 $0x83;
	v14 =	vand.u32 $0x1, v14  }
0x17c: {  	vm8 =	vmneg vm2;
	v55 =	vimm.s32 $0x19;
	vm9 =	veq.s32 v14, $0x1  }
0x17d: {  	v57 =	vimm.s32 $0x99;
	v59 =	vimm.s32 $0x119;
	s6 =	smin.f32 s9, s10;
	vm0 =	vmor vm9, vm8  }
0x17e: {  	v61 =	vimm.s32 $0x199;
	v48 =	vmov s6;
	s20 =	smin.f32 s11, s12;
	vm10 =	vmneg vm0  }
0x17f: {  	v15 =	vpsel p0, v48, v56;
	v49 =	vmov s20;
	s21 =	smax.f32 s13, s16;
	vm11 =	vmand vm4, vm10  }
0x180: {  	v51 =	vmov s21;
	vm3 =	vmand vm3, vm10;
	v56 =	vmctz.xlane vm11  }
0x181: {  	[tilespmem:v47+s5+$0x0] =	vst.idx.msk $0x1, v15;
	v17 =	vpsel p0, v49, v17;
	s22 =	smax.f32 s17, s18;
	v13 =	vpsel p0, v51, v13;
	v58 =	vmctz.xlane vm3  }
0x182: {  	[tilespmem:v50+s5+$0x0] =	vst.idx.msk $0x1, v17;
	v53 =	vmov s22;
	vm12 =	vlt.s32 v56, $0x10;
	v60 =	vadd.s32 $0x10, v56  }
0x183: {  	[tilespmem:v52+s5+$0x0] =	vst.idx.msk $0x1, v13;
	v12 =	vpsel p0, v53, v12;
	vm13 =	vlt.s32 v58, $0x10;
	v17 =	vnsel vm12, $0x0, v60  }
0x184: {  	[tilespmem:v54+s5+$0x0] =	vst.idx.msk $0x1, v12;
	v62 =	vsel vm13, v58, v17  }
0x185: {  	v63 =	vld.idx.msk [tilespmem:v55+s4+$0x0], $0xffff;
	v17 =	vadd.s32 $0x80, v62  }
0x186: {  	v15 =	vld.idx.msk [tilespmem:v57+s4+$0x0], $0xffff;
	v22 =	vadd.s32 $0x100, v62  }
0x187: {  	v13 =	vld.idx.msk [tilespmem:v61+s4+$0x0], $0xffff;
	v23 =	vadd.s32 $0x180, v62  }
0x188: {  	v14 =	vld.idx.msk [tilespmem:v59+s4+$0x0], $0xffff  }
0x189: {  	v12 =	vld.idx.msk [tilespmem:v62+s4+$0x0], $0xffff  }
0x18a: {  	v17 =	vld.idx.msk [tilespmem:v17+s4+$0x0], $0xffff  }
0x18b: {  	v18 =	vld.idx.msk [tilespmem:v22+s4+$0x0], $0xffff  }
0x18c: {  	v19 =	vld.idx.msk [tilespmem:v23+s4+$0x0], $0xffff;
	_ =	sdelay $0x3  }
0x18d: {  	v12 =	vsel vm0, v63, v12;
	v18 =	vsel vm0, v14, v18  }
0x18e: {  	v17 =	vsel vm0, v15, v17;
	v19 =	vsel vm0, v13, v19;
	v27 =	vmax.f32 v12, v1  }
0x18f: {  	v24 =	vsub.f32 v18, v12;
	v25 =	vsub.f32 v19, v17;
	v26 =	vmin.f32 v18, v5  }
0x190: {  	v28 =	vmin.f32 v19, v6;
	v29 =	vmax.f32 v17, v3;
	v18 =	vmin.f32 v18, v4  }
0x191: {  	v12 =	vmax.f32 v12, v0;
	v19 =	vmin.f32 v19, v7;
	v22 =	vsub.f32 v26, v27  }
0x192: {  	v17 =	vmax.f32 v17, v2;
	v21 =	vsub.f32 v28, v29;
	v12 =	vsub.f32 v18, v12  }
0x193: {  	v17 =	vsub.f32 v19, v17;
	v20 =	vmul.f32 v25, v24  }
0x194: {  	v22 =	vmax.f32 v22, $0.0e+00;
	v21 =	vmax.f32 v21, $0.0e+00;
	v12 =	vmax.f32 v12, $0.0e+00  }
0x195: {  	v17 =	vmax.f32 v17, $0.0e+00;
	v30 =	vmul.f32 v21, v22;
	v31 =	vadd.f32 v20, v8  }
0x196: {  	v12 =	vmul.f32 v17, v12;
	v32 =	vadd.f32 v20, v9  }
0x197: {  	v19 =	vsub.f32 v31, v30  }
0x198: {  	v17 =	vsub.f32 v32, v12  }
0x199: {  	(erf) = vrcp.f32 v19  }
0x19a: {  	(erf) = vrcp.f32 v17;
	_ =	sdelay $0x7  }
0x19b: {  	v33 =	vpop (erf)  }
0x19c: {  	v17 =	vmul.f32 v33, v30;
	v34 =	vpop (erf)  }
0x19d: {  	v12 =	vmul.f32 v34, v12  }
0x19e: {  	vm14 =	vge.f32 v17, $5.000000000e-01  }
0x19f: {  	vm4 =	vmand vm3, vm14;
	vm15 =	vge.f32 v12, $5.000000000e-01  }
0x1a0: {  	vm5 =	vmand vm11, vm15;
	v35 =	vnsel vm4, $0x7F61B1E6, v1  }
0x1a1: {  	(xrf0) =	vmin.scan.msk.f32 $0xffff, v35;
	v36 =	vnsel vm5, $0x7F61B1E6, v0  }
0x1a2: {  	v37 =	vnsel vm4, $0x7F61B1E6, v3;
	(xrf0) =	vmin.scan.msk.f32 $0xffff, v36  }
0x1a3: {  	v38 =	vnsel vm5, $0x7F61B1E6, v2;
	(xrf0) =	vmin.scan.msk.f32 $0xffff, v37  }
0x1a4: {  	v39 =	vnsel vm4, $0xFF61B1E6, v5;
	(xrf0) =	vmin.scan.msk.f32 $0xffff, v38  }
0x1a5: {  	v40 =	vnsel vm5, $0xFF61B1E6, v4;
	(xrf0) =	vmax.scan.msk.f32 $0xffff, v39  }
0x1a6: {  	vm8 =	vlt.f32 v17, $5.000000000e-01;
	v41 =	vnsel vm4, $0xFF61B1E6, v6;
	(xrf0) =	vmax.scan.msk.f32 $0xffff, v40  }
0x1a7: {  	vm3 =	vmand vm3, vm8;
	vm9 =	vlt.f32 v12, $5.000000000e-01;
	v43 =	vnsel vm5, $0xFF61B1E6, v7;
	v42, _, _ =	vpop (xrf0);
	(xrf0) =	vmax.scan.msk.f32 $0xffff, v41  }
0x1a8: {  	vm2 =	vmand vm11, vm9;
	v45 =	vsel vm3, $0x3F800000, v10;
	(v2sf) =	vpush v42, $0xF;
	v44, _, _ =	vpop (xrf0);
	(xrf0) =	vmax.scan.msk.f32 $0xffff, v43  }
0x1a9: {  	v10 =	vsel vm2, $0x3F800000, v10;
	(v2sf) =	vpush v44, $0xF;
	v46, _, _ =	vpop (xrf0);
	(xrf0) =	vmax.scan.msk.f32 $0xffff, v45  }
0x1aa: {  	(v2sf) =	vpush v46, $0xF;
	v47, _, _ =	vpop (xrf0);
	(xrf0) =	vmax.scan.msk.f32 $0xffff, v10  }
0x1ab: {  	(v2sf) =	vpush v47, $0xF;
	v48, _, _ =	vpop (xrf0)  }
0x1ac: {  	(v2sf) =	vpush v48, $0xF;
	v49, _, _ =	vpop (xrf0)  }
0x1ad: {  	(v2sf) =	vpush v49, $0xF;
	v50, _, _ =	vpop (xrf0)  }
0x1ae: {  	(v2sf) =	vpush v50, $0xF;
	v51, _, _ =	vpop (xrf0)  }
0x1af: {  	(v2sf) =	vpush v51, $0xF;
	v52, _, _ =	vpop (xrf0)  }
0x1b0: {  	(v2sf) =	vpush v52, $0xF;
	v53, _, _ =	vpop (xrf0)  }
0x1b1: {  	(v2sf) =	vpush v53, $0xF;
	_ =	sdelay $0x5  }
0x1b2: {  	s23 =	spop (v2sf)  }
0x1b3: {  	s24 =	spop (v2sf)  }
0x1b4: {  	s25 =	spop (v2sf)  }
0x1b5: {  	s26 =	spop (v2sf)  }
0x1b6: {  	s28 =	spop (v2sf)  }
0x1b7: {  	s29 =	spop (v2sf)  }
0x1b8: {  	s30 =	spop (v2sf)  }
0x1b9: {  	s31 =	spop (v2sf)  }
0x1ba: {  	s16 =	spop (v2sf)  }
0x1bb: {  	s17 =	spop (v2sf)  }
0x1bc: {  	p5 =	sgt.f32 s16, $0.0e+00;
	p6 =	sgt.f32 s17, $0.0e+00  }
0x1bd: {  	_ = 	snop  }
0x1be: {  	p0 =	por p5, p6  }
0x1bf: {  	vm1 =	vmneg @p0 vm1  }
0x1c0: {  	vm1 =	vmneg vm1  }
0x1c1: {  	v54 =	vsel vm1, $0x1, v11  }
0x1c2: {  	v10 =	vbroadcast v54, $0x0;
	_ =	sdelay $0x1  }
0x1c3: {  	v10 =	vand.u32 $0x1, v10  }
0x1c4: {  	v55 =	vimm.s32 $0x100;
	vm10 =	veq.s32 v10, $0x1  }
0x1c5: {  	v57 =	vimm.s32 $0x101;
	v59 =	vimm.s32 $0x103;
	vm1 =	vmor vm0, vm10  }
0x1c6: {  	v60 =	vimm.s32 $0x1A;
	v58 =	vimm.s32 $0x102;
	vm11 =	vmneg vm1  }
0x1c7: {  	v23 =	vimm.s32 $0x19A;
	v21 =	vimm.s32 $0x11A;
	s6 =	smin.f32 s23, s24;
	vm2 =	vmand vm2, vm11  }
0x1c8: {  	v56 =	vnsel vm0, s6, v63;
	s18 =	smin.f32 s25, s26;
	vm3 =	vmand vm3, vm11;
	v61 =	vmctz.xlane vm2  }
0x1c9: {  	v63 =	vimm.s32 $0x9A;
	[tilespmem:v55+s5+$0x0] =	vst.idx.msk $0x1, v56;
	v15 =	vnsel vm0, s18, v15;
	s19 =	smax.f32 s28, s29;
	v20 =	vmctz.xlane vm3  }
0x1ca: {  	[tilespmem:v57+s5+$0x0] =	vst.idx.msk $0x1, v15;
	v14 =	vnsel vm0, s19, v14;
	s20 =	smax.f32 s30, s31;
	vm12 =	vlt.s32 v61, $0x10;
	v22 =	vadd.s32 $0x10, v61  }
0x1cb: {  	[tilespmem:v58+s5+$0x0] =	vst.idx.msk $0x1, v14;
	v62 =	vnsel vm0, s20, v13;
	vm13 =	vlt.s32 v20, $0x10;
	v15 =	vnsel vm12, $0x0, v22  }
0x1cc: {  	[tilespmem:v59+s5+$0x0] =	vst.idx.msk $0x1, v62;
	v24 =	vsel vm13, v20, v15  }
0x1cd: {  	v25 =	vld.idx.msk [tilespmem:v60+s4+$0x0], $0xffff;
	v15 =	vadd.s32 $0x80, v24  }
0x1ce: {  	v12 =	vld.idx.msk [tilespmem:v21+s4+$0x0], $0xffff;
	v26 =	vadd.s32 $0x100, v24  }
0x1cf: {  	v14 =	vld.idx.msk [tilespmem:v23+s4+$0x0], $0xffff;
	v27 =	vadd.s32 $0x180, v24  }
0x1d0: {  	v11 =	vld.idx.msk [tilespmem:v63+s4+$0x0], $0xffff  }
0x1d1: {  	v10 =	vld.idx.msk [tilespmem:v24+s4+$0x0], $0xffff  }
0x1d2: {  	v15 =	vld.idx.msk [tilespmem:v15+s4+$0x0], $0xffff  }
0x1d3: {  	v16 =	vld.idx.msk [tilespmem:v26+s4+$0x0], $0xffff  }
0x1d4: {  	v17 =	vld.idx.msk [tilespmem:v27+s4+$0x0], $0xffff;
	_ =	sdelay $0x3  }
0x1d5: {  	v10 =	vsel vm1, v25, v10;
	v16 =	vsel vm1, v12, v16  }
0x1d6: {  	v15 =	vsel vm1, v11, v15;
	v17 =	vsel vm1, v14, v17;
	v31 =	vmax.f32 v10, v1  }
0x1d7: {  	v28 =	vsub.f32 v16, v10;
	v29 =	vsub.f32 v17, v15;
	v30 =	vmin.f32 v16, v5  }
0x1d8: {  	v32 =	vmin.f32 v17, v6;
	v33 =	vmax.f32 v15, v3;
	v16 =	vmin.f32 v16, v4  }
0x1d9: {  	v10 =	vmax.f32 v10, v0;
	v17 =	vmin.f32 v17, v7;
	v20 =	vsub.f32 v30, v31  }
0x1da: {  	v15 =	vmax.f32 v15, v2;
	v19 =	vsub.f32 v32, v33;
	v10 =	vsub.f32 v16, v10  }
0x1db: {  	v15 =	vsub.f32 v17, v15;
	v18 =	vmul.f32 v29, v28  }
0x1dc: {  	v20 =	vmax.f32 v20, $0.0e+00;
	v19 =	vmax.f32 v19, $0.0e+00;
	v10 =	vmax.f32 v10, $0.0e+00  }
0x1dd: {  	v15 =	vmax.f32 v15, $0.0e+00;
	v34 =	vmul.f32 v19, v20;
	v8 =	vadd.f32 v18, v8  }
0x1de: {  	v10 =	vmul.f32 v15, v10;
	v9 =	vadd.f32 v18, v9  }
0x1df: {  	v8 =	vsub.f32 v8, v34  }
0x1e0: {  	v9 =	vsub.f32 v9, v10  }
0x1e1: {  	(erf) = vrcp.f32 v8  }
0x1e2: {  	(erf) = vrcp.f32 v9;
	_ =	sdelay $0x7  }
0x1e3: {  	v8 =	vpop (erf)  }
0x1e4: {  	v8 =	vmul.f32 v8, v34;
	v9 =	vpop (erf)  }
0x1e5: {  	v9 =	vmul.f32 v9, v10  }
0x1e6: {  	vm14 =	vge.f32 v8, $5.000000000e-01  }
0x1e7: {  	vm0 =	vmand vm3, vm14;
	vm15 =	vge.f32 v9, $5.000000000e-01  }
0x1e8: {  	vm2 =	vmand vm2, vm15;
	v1 =	vnsel vm0, $0x7F61B1E6, v1  }
0x1e9: {  	(xrf0) =	vmin.scan.msk.f32 $0xffff, v1;
	v0 =	vnsel vm2, $0x7F61B1E6, v0  }
0x1ea: {  	v35 =	vnsel vm0, $0x7F61B1E6, v3;
	(xrf0) =	vmin.scan.msk.f32 $0xffff, v0  }
0x1eb: {  	v36 =	vnsel vm2, $0x7F61B1E6, v2;
	(xrf0) =	vmin.scan.msk.f32 $0xffff, v35  }
0x1ec: {  	v37 =	vnsel vm0, $0xFF61B1E6, v5;
	(xrf0) =	vmin.scan.msk.f32 $0xffff, v36  }
0x1ed: {  	v38 =	vnsel vm2, $0xFF61B1E6, v4;
	(xrf0) =	vmax.scan.msk.f32 $0xffff, v37  }
0x1ee: {  	v39 =	vnsel vm0, $0xFF61B1E6, v6;
	(xrf0) =	vmax.scan.msk.f32 $0xffff, v38  }
0x1ef: {  	v40 =	vnsel vm2, $0xFF61B1E6, v7;
	v1, _, _ =	vpop (xrf0);
	(xrf0) =	vmax.scan.msk.f32 $0xffff, v39  }
0x1f0: {  	(v2sf) =	vpush v1, $0xF;
	v41, _, _ =	vpop (xrf0);
	(xrf0) =	vmax.scan.msk.f32 $0xffff, v40  }
0x1f1: {  	v42, _, _ =	vpop (xrf0);
	(v2sf) =	vpush v41, $0xF  }
0x1f2: {  	v43, _, _ =	vpop (xrf0);
	(v2sf) =	vpush v42, $0xF  }
0x1f3: {  	v44, _, _ =	vpop (xrf0);
	(v2sf) =	vpush v43, $0xF  }
0x1f4: {  	v45, _, _ =	vpop (xrf0);
	(v2sf) =	vpush v44, $0xF  }
0x1f5: {  	v46, _, _ =	vpop (xrf0);
	(v2sf) =	vpush v45, $0xF  }
0x1f6: {  	(v2sf) =	vpush v46, $0xF;
	v47, _, _ =	vpop (xrf0)  }
0x1f7: {  	(v2sf) =	vpush v47, $0xF;
	_ =	sdelay $0x7  }
0x1f8: {  	s21 =	spop (v2sf)  }
0x1f9: {  	s22 =	spop (v2sf)  }
0x1fa: {  	v48 =	vimm.s32 $0x180;
	s23 =	spop (v2sf)  }
0x1fb: {  	v49 =	vimm.s32 $0x181;
	s24 =	spop (v2sf)  }
0x1fc: {  	v50 =	vimm.s32 $0x182;
	s25 =	spop (v2sf)  }
0x1fd: {  	v51 =	vimm.s32 $0x183;
	s6 =	smin.f32 s21, s22;
	s26 =	spop (v2sf)  }
0x1fe: {  	v53 =	vimm.s32 $0x1B;
	v52 =	vnsel vm1, s6, v25;
	s8 =	smin.f32 s23, s24;
	s28 =	spop (v2sf)  }
0x1ff: {  	[tilespmem:v48+s5+$0x0] =	vst.idx.msk $0x1, v52;
	v54 =	vnsel vm1, s8, v11;
	s7 =	smax.f32 s25, s26;
	s29 =	spop (v2sf)  }
0x200: {  	[tilespmem:v49+s5+$0x0] =	vst.idx.msk $0x1, v54;
	v55 =	vnsel vm1, s7, v12;
	s6 =	smax.f32 s28, s29  }
0x201: {  	[tilespmem:v50+s5+$0x0] =	vst.idx.msk $0x1, v55;
	v56 =	vnsel vm1, s6, v14  }
0x202: {  	[tilespmem:v51+s5+$0x0] =	vst.idx.msk $0x1, v56  }
0x203: {  	v57 =	vimm.s32 $0x200;
	v0 =	vld.idx.msk [tilespmem:v53+s4+$0x0], $0xffff  }
0x204: {  	v58 =	vimm.s32 $0x9B;
	_ =	sdelay $0x3  }
0x205: {  	[tilespmem:v57+s5+$0x0] =	vst.idx.msk $0x1, v0  }
0x206: {  	v59 =	vimm.s32 $0x201;
	v0 =	vld.idx.msk [tilespmem:v58+s4+$0x0], $0xffff  }
0x207: {  	v60 =	vimm.s32 $0x11B;
	_ =	sdelay $0x3  }
0x208: {  	[tilespmem:v59+s5+$0x0] =	vst.idx.msk $0x1, v0  }
0x209: {  	v61 =	vimm.s32 $0x202;
	v0 =	vld.idx.msk [tilespmem:v60+s4+$0x0], $0xffff  }
0x20a: {  	v62 =	vimm.s32 $0x19B;
	_ =	sdelay $0x3  }
0x20b: {  	[tilespmem:v61+s5+$0x0] =	vst.idx.msk $0x1, v0  }
0x20c: {  	v63 =	vimm.s32 $0x203;
	v0 =	vld.idx.msk [tilespmem:v62+s4+$0x0], $0xffff;
	_ =	sdelay $0x4  }
0x20d: {  	s2 =	sadd.s32 s3, s2;
	s30 =	simm.s32 $0x0;
	s31 =	simm.s32 $0x3;
	[tilespmem:v63+s5+$0x0] =	vst.idx.msk $0x1, v0  }
0x20e: {  	[hbm4b:s2+s30] =	stream.linear.scatter [tilespmem:s5], [sflag:$0x3], $0x280, $0x38;
	[tilespmem:$0x8080] =	vst v63  }
0x20f: {  	_ =	swait.ge [sflag:s31], $0x280  }
0x210: {  	[sflag:s31] =	ssyncset.done $0x0  }
0x211: {  	[sflag:s31] =	ssyncadd.s32 $0xFFFFFD80  }
0x212: {  	_ =	sfence.sel $0x180000  }
0x213: {  	[bflag:$0x0] =	sbarrier.arrive $0xFFFF  }
0x214: {  	p0 =	sne.s32 s0, $0x0;
	_ =	strace $0x90000047  }
0x215: {  	s0 =	sadd.s32 @!p0 $0x100000, s1;
	[bflag:$0x2] =	sbarrier.arrive $0xFFFF  }
0x216: {  	[sflag:s0] =	ssyncadd.tile.s32 @!p0 $0x1;
	_ =	shalt  }
.Lfunc_end2:
_tile_overlayer_lowered:
.L_overlay_start_2:
0x217: {  	(tag) =	ssettag $0x2  }
0x218: {  	s0 =	rddreg [dreg:$0x0];
	s2 =	stileid.u32  }
0x219: {  	s1 =	rddreg [dreg:$0x1];
	p0 =	sne.s32 s2, $0x0  }
0x21a: {  	s3 =	rddreg [dreg:$0x2];
	[bflag:$0x3] =	sbarrier.arrive $0xFFFF;
	s2 =	simm.s32 @!p0 $0x1C03  }
0x21b: {  	[timem:s3], [sflag:s2] =	dma.local @!p0 [hbm:s0], s1  }
0x21c: {  	s0 =	simm.s32 @!p0 $0x3  }
0x21d: {  	_ =	swait.ge @!p0 [sflag:s0], s1  }
0x21e: {  	s1 =	ssub.s32 @!p0 $0x0, s1;
	[sflag:s0] =	ssyncset.done @!p0 $0x0  }
0x21f: {  	[sflag:s0] =	ssyncadd.s32 @!p0 s1  }
0x220: {  	[bflag:$0x3] =	sbarrier.arrive $0xFFFF  }
0x221: {  	_ =	shalt  }

</sc_bundles>
